<compile_context>
chip_gen: v7x
topology: tpu7x:2x2x1
jax: 0.10.2.dev20260603
libtpu: 0.0.44.dev20260713+nightly
codegen_flags: <defaults>
</compile_context>

<pallas_src>
import jax
import jax.numpy as jnp
from jax.experimental import pallas as pl
from jax.experimental.pallas import tpu as pltpu
from jax.experimental.pallas import tpu_sc as plsc

_R = 8


def kernel(input_ids, embedding_table):
    batch, seq = input_ids.shape
    vocab, dim = embedding_table.shape
    table_pad = jnp.pad(embedding_table, ((0, 0), (0, 128 - dim)))

    mesh = plsc.VectorSubcoreMesh(core_axis_name="core",
                                  subcore_axis_name="subcore")

    @pl.kernel(out_type=jax.ShapeDtypeStruct((batch, seq, 128),
                                             embedding_table.dtype),
               mesh=mesh,
               scratch_types=[pltpu.SemaphoreType.DMA],
               compiler_params=pltpu.CompilerParams(use_tc_tiling_on_sc=False))
    def gather_kernel(table_hbm, i_hbm, o_hbm, sem):
        def body(i_vmem, o_vmem):
            copies = [
                pltpu.async_copy(table_hbm.at[i_vmem.at[j]],
                                 o_vmem.at[j], sem)
                for j in range(_R)
            ]
            for c in copies:
                c.wait()

        pltpu.emit_pipeline(
            body,
            grid=(batch // _R,),
            in_specs=[pl.BlockSpec((_R, seq), lambda i: (i, 0))],
            out_specs=[pl.BlockSpec((_R, seq, 128), lambda i: (i, 0, 0))],
            core_axis_name=("core", "subcore"),
            dimension_semantics=(pltpu.PARALLEL,),
        )(i_hbm, o_hbm)

    padded_rows = gather_kernel(table_pad, input_ids)
    embeddings = padded_rows[:, :, :dim]
    attention_mask = jnp.ones((batch, seq), dtype=jnp.int32)
    return (embeddings, attention_mask)

# --- scband reference (transcript-rebuilt; emitter-appended) ---
"""Pipeline reference for scband-fin-gptr1-tokenizer-81235011436960 (READ-ONLY COPY).

The authoritative reference and input builder live on the scoring server;
editing this copy changes nothing except your own understanding.
"""

import jax, jax.numpy as jnp
import numpy as np

BATCH = 4096
SEQ = 50
VOCAB = 1000000
DIM = 64

def setup_inputs(seed: int = 0) -> dict:
    key = jax.random.key(seed)
    k1, k2 = jax.random.split(key)
    input_ids = jax.random.randint(k1, (BATCH, SEQ), 0, VOCAB, dtype=jnp.int64 if jax.config.jax_enable_x64 else jnp.int32)
    embedding_table = jax.random.normal(k2, (VOCAB, DIM), dtype=jnp.float32) * 0.02
    return {"input_ids": input_ids, "embedding_table": embedding_table}

def reference(input_ids, embedding_table):
    # Faithful core of FinGPTR1_Tokenizer.forward: per-example custom embedding
    # lookup over token ids, concatenated over the batch, plus attention mask.
    # The tokenizer/string preprocessing is host-side and not part of the
    # tensor computation; the device work is a gather from the embedding table.
    embeddings_batch = jnp.take(embedding_table, input_ids, axis=0)  # [B, L, D]
    attention_mask = jnp.ones(input_ids.shape, dtype=jnp.int32)
    return (embeddings_batch, attention_mask)

if __name__ == "__main__":
    import jax
    _d = setup_inputs()
    print(jax.jit(kernel)(*tuple(_d.values())))

</pallas_src>

<mosaic_0001>
#map = affine_map<(d0, d1) -> (0, 0)>
#map1 = affine_map<(d0, d1) -> (0, 0, 0)>
module attributes {stable_mosaic.version = 14 : i64} {
  func.func @gather_kernel(%arg0: i32, %arg1: i32, %arg2: memref<1000000x128xf32, #tpu.memory_space<hbm>>, %arg3: memref<4096x50xi32, #tpu.memory_space<hbm>>, %arg4: memref<4096x50x128xf32, #tpu.memory_space<hbm>>, %arg5: memref<!tpu.dma_semaphore, #tpu.memory_space<semaphore_mem>>) attributes {dimension_semantics = [#tpu.dimension_semantics<core_parallel>, #tpu.dimension_semantics<subcore_parallel>], iteration_bounds = array<i64: 2, 16>, scalar_prefetch = 0 : i64, scratch_operands = 1 : i64, tpu.core_type = #tpu.core_type<sc_vector_subcore>, window_params = [{transform_indices = #map}, {transform_indices = #map}, {transform_indices = #map1}]} {
    %mul3A = arith.constant 1 : i32
    %mul3A_0 = arith.muli %arg1, %mul3A : i32
    %add3A = arith.constant 0 : i32
    %add3A_1 = arith.addi %add3A, %mul3A_0 : i32
    %mul3A_2 = arith.constant 16 : i32
    %mul3A_3 = arith.muli %arg0, %mul3A_2 : i32
    %add3A_4 = arith.addi %add3A_1, %mul3A_3 : i32
    %mul3A_5 = arith.constant 16 : i32
    %mul3A_6 = arith.muli %add3A_4, %mul3A_5 : i32
    "tpu.region"() ({
      %run_scoped3A = memref.alloca() : memref<2x8x50xi32, #tpu.memory_space<vmem>>
      %run_scoped3A_7 = tpu.sem_alloc : memref<2x!tpu.dma_semaphore, #tpu.memory_space<semaphore_mem>>
      %run_scoped3A_8 = memref.alloca() : memref<2x8x50x128xf32, #tpu.memory_space<vmem>>
      %run_scoped3A_9 = tpu.sem_alloc : memref<2x!tpu.dma_semaphore, #tpu.memory_space<semaphore_mem>>
      %add3A_10 = arith.constant 0 : i32
      %add3A_11 = arith.addi %add3A_10, %mul3A_6 : i32
      %select_n3A = arith.constant true
      %select_n3A_12 = arith.constant 0 : i32
      %select_n3A_13 = arith.constant -1 : i32
      %select_n3A_14 = arith.select %select_n3A, %select_n3A_13, %select_n3A_12 : i32
      %eq3A = arith.constant -1 : i32
      %eq3A_15 = arith.cmpi eq, %select_n3A_14, %eq3A : i32
      %select_n3A_16 = arith.constant 15 : i32
      %select_n3A_17 = arith.select %eq3A_15, %select_n3A_16, %select_n3A_14 : i32
      %add3A_18 = arith.addi %select_n3A_17, %mul3A_6 : i32
      %select_n3A_19 = arith.constant true
      %select_n3A_20 = arith.constant 0 : i32
      %select_n3A_21 = arith.constant 1 : i32
      %select_n3A_22 = arith.select %select_n3A_19, %select_n3A_21, %select_n3A_20 : i32
      %eq3A_23 = arith.constant 16 : i32
      %eq3A_24 = arith.cmpi eq, %select_n3A_22, %eq3A_23 : i32
      %select_n3A_25 = arith.constant 0 : i32
      %select_n3A_26 = arith.select %eq3A_24, %select_n3A_25, %select_n3A_22 : i32
      %add3A_27 = arith.addi %select_n3A_26, %mul3A_6 : i32
      %add3A_28 = arith.constant 1 : i32
      %add3A_29 = arith.addi %select_n3A_26, %add3A_28 : i32
      %select_n3A_30 = arith.constant true
      %select_n3A_31 = arith.select %select_n3A_30, %add3A_29, %select_n3A_26 : i32
      %eq3A_32 = arith.constant 16 : i32
      %eq3A_33 = arith.cmpi eq, %select_n3A_31, %eq3A_32 : i32
      %select_n3A_34 = arith.constant 0 : i32
      %select_n3A_35 = arith.select %eq3A_33, %select_n3A_34, %select_n3A_31 : i32
      %add3A_36 = arith.addi %select_n3A_35, %mul3A_6 : i32
      "tpu.trace_start"() <{level = 10 : i32, message = "ep_initialize_0"}> : () -> ()
      %rem3A = arith.constant 0 : i32
      %rem3A_37 = arith.constant 2 : i32
      %rem3A_38 = arith.remui %rem3A, %rem3A_37 : i32
      %mul3A_39 = arith.constant 8 : i32
      %mul3A_40 = arith.muli %mul3A_39, %add3A_11 : i32
      %dma_start3A = arith.constant 0 : i32
      %dma_start3A_41 = arith.constant 0 : i32
      %dma_start3A_42 = tpu.memref_slice %run_scoped3A[%rem3A_38, %dma_start3A, %dma_start3A_41] : memref<2x8x50xi32, #tpu.memory_space<vmem>> -> memref<1x8x50xi32, #tpu.memory_space<vmem>>
      %dma_start3A_43 = tpu.memref_squeeze %dma_start3A_42 : memref<1x8x50xi32, #tpu.memory_space<vmem>> -> memref<8x50xi32, #tpu.memory_space<vmem>>
      %dma_start3A_44 = arith.constant 0 : i32
      %dma_start3A_45 = tpu.memref_slice %arg3[%mul3A_40, %dma_start3A_44] : memref<4096x50xi32, #tpu.memory_space<hbm>> -> memref<8x50xi32, #tpu.memory_space<hbm>>
      %dma_start3A_46 = tpu.memref_slice %run_scoped3A_7[%rem3A_38] : memref<2x!tpu.dma_semaphore, #tpu.memory_space<semaphore_mem>> -> memref<1x!tpu.dma_semaphore, #tpu.memory_space<semaphore_mem>>
      %dma_start3A_47 = tpu.memref_squeeze %dma_start3A_46 : memref<1x!tpu.dma_semaphore, #tpu.memory_space<semaphore_mem>> -> memref<!tpu.dma_semaphore, #tpu.memory_space<semaphore_mem>>
      %dma_start3A_48 = arith.constant 0 : i32
      %dma_start3A_49 = arith.constant 0 : i32
      %dma_start3A_50 = tpu.memref_slice %run_scoped3A[%rem3A_38, %dma_start3A_48, %dma_start3A_49] : memref<2x8x50xi32, #tpu.memory_space<vmem>> -> memref<1x8x50xi32, #tpu.memory_space<vmem>>
      %dma_start3A_51 = tpu.memref_squeeze %dma_start3A_50 : memref<1x8x50xi32, #tpu.memory_space<vmem>> -> memref<8x50xi32, #tpu.memory_space<vmem>>
      %dma_start3A_52 = arith.constant 0 : i32
      %dma_start3A_53 = tpu.memref_slice %arg3[%mul3A_40, %dma_start3A_52] : memref<4096x50xi32, #tpu.memory_space<hbm>> -> memref<8x50xi32, #tpu.memory_space<hbm>>
      tpu.enqueue_dma source(%dma_start3A_53 : memref<8x50xi32, #tpu.memory_space<hbm>>) target(%dma_start3A_51 : memref<8x50xi32, #tpu.memory_space<vmem>>) target_semaphore(%dma_start3A_47 : memref<!tpu.dma_semaphore, #tpu.memory_space<semaphore_mem>>)
      %add3A_54 = arith.constant 0 : i32
      %add3A_55 = arith.constant 1 : i32
      %add3A_56 = arith.addi %add3A_54, %add3A_55 : i32
      %select_n3A_57 = arith.constant true
      %select_n3A_58 = arith.constant 0 : i32
      %select_n3A_59 = arith.select %select_n3A_57, %add3A_56, %select_n3A_58 : i32
      "tpu.trace_stop"() : () -> ()
      %scan3A = arith.constant 0 : i32
      %scan3A_60 = arith.constant 0 : i32
      %scan3A_61 = arith.constant 0 : i32
      %scan3A_62 = arith.constant 0 : i32
      %scan3A_63 = arith.constant 0 : i32
      %scan3A_64 = arith.constant 16 : i32
      %scan3A_65 = arith.addi %scan3A_63, %scan3A_64 : i32
      %scan3A_66 = arith.constant 1 : i32
      %scan3A_67:5 = scf.for %scan3A_125 = %scan3A_63 to %scan3A_65 step %scan3A_66 iter_args(%scan3A_126 = %select_n3A_59, %scan3A_127 = %scan3A, %scan3A_128 = %scan3A_60, %scan3A_129 = %scan3A_61, %scan3A_130 = %scan3A_62) -> (i32, i32, i32, i32, i32)  : i32 {
        %eq3A_131 = arith.constant 0 : i32
        %eq3A_132 = arith.cmpi eq, %scan3A_125, %eq3A_131 : i32
        %eq3A_133 = arith.constant 15 : i32
        %eq3A_134 = arith.cmpi eq, %scan3A_125, %eq3A_133 : i32
        %add3A_135 = arith.addi %scan3A_130, %mul3A_6 : i32
        %sub3A_136 = arith.constant 1 : i32
        %sub3A_137 = arith.subi %scan3A_130, %sub3A_136 : i32
        %select_n3A_138 = arith.constant true
        %select_n3A_139 = arith.select %select_n3A_138, %sub3A_137, %scan3A_130 : i32
        %eq3A_140 = arith.constant -1 : i32
        %eq3A_141 = arith.cmpi eq, %select_n3A_139, %eq3A_140 : i32
        %select_n3A_142 = arith.constant 15 : i32
        %select_n3A_143 = arith.select %eq3A_141, %select_n3A_142, %select_n3A_139 : i32
        %add3A_144 = arith.addi %select_n3A_143, %mul3A_6 : i32
        %add3A_145 = arith.constant 1 : i32
        %add3A_146 = arith.addi %scan3A_130, %add3A_145 : i32
        %select_n3A_147 = arith.constant true
        %select_n3A_148 = arith.select %select_n3A_147, %add3A_146, %scan3A_130 : i32
        %eq3A_149 = arith.constant 16 : i32
        %eq3A_150 = arith.cmpi eq, %select_n3A_148, %eq3A_149 : i32
        %select_n3A_151 = arith.constant 0 : i32
        %select_n3A_152 = arith.select %eq3A_150, %select_n3A_151, %select_n3A_148 : i32
        %add3A_153 = arith.addi %select_n3A_152, %mul3A_6 : i32
        %add3A_154 = arith.constant 1 : i32
        %add3A_155 = arith.addi %select_n3A_152, %add3A_154 : i32
        %select_n3A_156 = arith.constant true
        %select_n3A_157 = arith.select %select_n3A_156, %add3A_155, %select_n3A_152 : i32
        %eq3A_158 = arith.constant 16 : i32
        %eq3A_159 = arith.cmpi eq, %select_n3A_157, %eq3A_158 : i32
        %select_n3A_160 = arith.constant 0 : i32
        %select_n3A_161 = arith.select %eq3A_159, %select_n3A_160, %select_n3A_157 : i32
        %add3A_162 = arith.addi %select_n3A_161, %mul3A_6 : i32
        %ne3A = arith.cmpi ne, %add3A_135, %add3A_153 : i32
        %or3A = arith.constant false
        %or3A_163 = arith.ori %or3A, %ne3A : i1
        %or3A_164 = arith.constant false
        %or3A_165 = arith.ori %or3A_163, %or3A_164 : i1
        %ge3A = arith.constant 15 : i32
        %ge3A_166 = arith.cmpi sge, %scan3A_125, %ge3A : i32
        %not3A = arith.constant true
        %not3A_167 = arith.xori %ge3A_166, %not3A : i1
        %and3A = arith.andi %or3A_165, %not3A_167 : i1
        %convert_element_type3A = arith.extui %and3A : i1 to i32
        %cond3A = arith.constant 0 : i32
        %cond3A_168 = arith.cmpi ne, %convert_element_type3A, %cond3A : i32
        scf.if %cond3A_168 {
          "tpu.trace_start"() <{level = 10 : i32, message = "ep_copy_in"}> : () -> ()
          %rem3A_621 = arith.constant 2 : i32
          %rem3A_622 = arith.remui %scan3A_126, %rem3A_621 : i32
          %mul3A_623 = arith.constant 8 : i32
          %mul3A_624 = arith.muli %mul3A_623, %add3A_153 : i32
          %dma_start3A_625 = arith.constant 0 : i32
          %dma_start3A_626 = arith.constant 0 : i32
          %dma_start3A_627 = tpu.memref_slice %run_scoped3A[%rem3A_622, %dma_start3A_625, %dma_start3A_626] : memref<2x8x50xi32, #tpu.memory_space<vmem>> -> memref<1x8x50xi32, #tpu.memory_space<vmem>>
          %dma_start3A_628 = tpu.memref_squeeze %dma_start3A_627 : memref<1x8x50xi32, #tpu.memory_space<vmem>> -> memref<8x50xi32, #tpu.memory_space<vmem>>
          %dma_start3A_629 = arith.constant 0 : i32
          %dma_start3A_630 = tpu.memref_slice %arg3[%mul3A_624, %dma_start3A_629] : memref<4096x50xi32, #tpu.memory_space<hbm>> -> memref<8x50xi32, #tpu.memory_space<hbm>>
          %dma_start3A_631 = tpu.memref_slice %run_scoped3A_7[%rem3A_622] : memref<2x!tpu.dma_semaphore, #tpu.memory_space<semaphore_mem>> -> memref<1x!tpu.dma_semaphore, #tpu.memory_space<semaphore_mem>>
          %dma_start3A_632 = tpu.memref_squeeze %dma_start3A_631 : memref<1x!tpu.dma_semaphore, #tpu.memory_space<semaphore_mem>> -> memref<!tpu.dma_semaphore, #tpu.memory_space<semaphore_mem>>
          %dma_start3A_633 = arith.constant 0 : i32
          %dma_start3A_634 = arith.constant 0 : i32
          %dma_start3A_635 = tpu.memref_slice %run_scoped3A[%rem3A_622, %dma_start3A_633, %dma_start3A_634] : memref<2x8x50xi32, #tpu.memory_space<vmem>> -> memref<1x8x50xi32, #tpu.memory_space<vmem>>
          %dma_start3A_636 = tpu.memref_squeeze %dma_start3A_635 : memref<1x8x50xi32, #tpu.memory_space<vmem>> -> memref<8x50xi32, #tpu.memory_space<vmem>>
          %dma_start3A_637 = arith.constant 0 : i32
          %dma_start3A_638 = tpu.memref_slice %arg3[%mul3A_624, %dma_start3A_637] : memref<4096x50xi32, #tpu.memory_space<hbm>> -> memref<8x50xi32, #tpu.memory_space<hbm>>
          tpu.enqueue_dma source(%dma_start3A_638 : memref<8x50xi32, #tpu.memory_space<hbm>>) target(%dma_start3A_636 : memref<8x50xi32, #tpu.memory_space<vmem>>) target_semaphore(%dma_start3A_632 : memref<!tpu.dma_semaphore, #tpu.memory_space<semaphore_mem>>)
          "tpu.trace_stop"() : () -> ()
        } else {
        }
        %and3A_169 = arith.constant true
        %and3A_170 = arith.andi %and3A, %and3A_169 : i1
        %add3A_171 = arith.constant 1 : i32
        %add3A_172 = arith.addi %scan3A_126, %add3A_171 : i32
        %select_n3A_173 = arith.select %and3A_170, %add3A_172, %scan3A_126 : i32
        %ne3A_174 = arith.cmpi ne, %add3A_135, %add3A_153 : i32
        %or3A_175 = arith.constant false
        %or3A_176 = arith.ori %or3A_175, %ne3A_174 : i1
        %or3A_177 = arith.constant false
        %or3A_178 = arith.ori %or3A_176, %or3A_177 : i1
        %or3A_179 = arith.constant false
        %or3A_180 = arith.ori %or3A_178, %or3A_179 : i1
        %ge3A_181 = arith.constant 15 : i32
        %ge3A_182 = arith.cmpi sge, %scan3A_125, %ge3A_181 : i32
        %not3A_183 = arith.constant true
        %not3A_184 = arith.xori %ge3A_182, %not3A_183 : i1
        %and3A_185 = arith.andi %or3A_180, %not3A_184 : i1
        %ne3A_186 = arith.cmpi ne, %add3A_135, %add3A_144 : i32
        %or3A_187 = arith.constant false
        %or3A_188 = arith.ori %or3A_187, %ne3A_186 : i1
        %or3A_189 = arith.constant false
        %or3A_190 = arith.ori %or3A_188, %or3A_189 : i1
        %or3A_191 = arith.ori %or3A_190, %eq3A_132 : i1
        %convert_element_type3A_192 = arith.extui %or3A_191 : i1 to i32
        %cond3A_193 = arith.constant 0 : i32
        %cond3A_194 = arith.cmpi ne, %convert_element_type3A_192, %cond3A_193 : i32
        scf.if %cond3A_194 {
          "tpu.trace_start"() <{level = 10 : i32, message = "ep_wait_in"}> : () -> ()
          %mul3A_621 = arith.constant 8 : i32
          %mul3A_622 = arith.muli %mul3A_621, %add3A_135 : i32
          %rem3A_623 = arith.constant 2 : i32
          %rem3A_624 = arith.remui %scan3A_127, %rem3A_623 : i32
          %dma_wait3A_625 = arith.constant 0 : i32
          %dma_wait3A_626 = arith.constant 0 : i32
          %dma_wait3A_627 = tpu.memref_slice %run_scoped3A[%rem3A_624, %dma_wait3A_625, %dma_wait3A_626] : memref<2x8x50xi32, #tpu.memory_space<vmem>> -> memref<1x8x50xi32, #tpu.memory_space<vmem>>
          %dma_wait3A_628 = tpu.memref_squeeze %dma_wait3A_627 : memref<1x8x50xi32, #tpu.memory_space<vmem>> -> memref<8x50xi32, #tpu.memory_space<vmem>>
          %dma_wait3A_629 = arith.constant 0 : i32
          %dma_wait3A_630 = tpu.memref_slice %arg3[%mul3A_622, %dma_wait3A_629] : memref<4096x50xi32, #tpu.memory_space<hbm>> -> memref<8x50xi32, #tpu.memory_space<hbm>>
          %dma_wait3A_631 = tpu.memref_slice %run_scoped3A_7[%rem3A_624] : memref<2x!tpu.dma_semaphore, #tpu.memory_space<semaphore_mem>> -> memref<1x!tpu.dma_semaphore, #tpu.memory_space<semaphore_mem>>
          %dma_wait3A_632 = tpu.memref_squeeze %dma_wait3A_631 : memref<1x!tpu.dma_semaphore, #tpu.memory_space<semaphore_mem>> -> memref<!tpu.dma_semaphore, #tpu.memory_space<semaphore_mem>>
          %dma_wait3A_633 = arith.constant 0 : i32
          %dma_wait3A_634 = arith.constant 0 : i32
          %dma_wait3A_635 = tpu.memref_slice %run_scoped3A[%rem3A_624, %dma_wait3A_633, %dma_wait3A_634] : memref<2x8x50xi32, #tpu.memory_space<vmem>> -> memref<1x8x50xi32, #tpu.memory_space<vmem>>
          %dma_wait3A_636 = tpu.memref_squeeze %dma_wait3A_635 : memref<1x8x50xi32, #tpu.memory_space<vmem>> -> memref<8x50xi32, #tpu.memory_space<vmem>>
          %dma_wait3A_637 = arith.constant 0 : i32
          %dma_wait3A_638 = tpu.memref_slice %arg3[%mul3A_622, %dma_wait3A_637] : memref<4096x50xi32, #tpu.memory_space<hbm>> -> memref<8x50xi32, #tpu.memory_space<hbm>>
          tpu.wait_dma2 semaphore(%dma_wait3A_632 : memref<!tpu.dma_semaphore, #tpu.memory_space<semaphore_mem>>) src(%dma_wait3A_638 : memref<8x50xi32, #tpu.memory_space<hbm>>) dst(%dma_wait3A_636 : memref<8x50xi32, #tpu.memory_space<vmem>>)
          "tpu.trace_stop"() : () -> ()
        } else {
        }
        %ne3A_195 = arith.cmpi ne, %add3A_135, %add3A_144 : i32
        %or3A_196 = arith.constant false
        %or3A_197 = arith.ori %or3A_196, %ne3A_195 : i1
        %or3A_198 = arith.constant false
        %or3A_199 = arith.ori %or3A_197, %or3A_198 : i1
        %or3A_200 = arith.constant false
        %or3A_201 = arith.ori %or3A_199, %or3A_200 : i1
        %or3A_202 = arith.ori %or3A_201, %eq3A_132 : i1
        %convert_element_type3A_203 = arith.extui %or3A_202 : i1 to i32
        %cond3A_204 = arith.constant 0 : i32
        %cond3A_205 = arith.cmpi ne, %convert_element_type3A_203, %cond3A_204 : i32
        scf.if %cond3A_205 {
        } else {
        }
        %rem3A_206 = arith.constant 2 : i32
        %rem3A_207 = arith.remui %scan3A_127, %rem3A_206 : i32
        %rem3A_208 = arith.constant 2 : i32
        %rem3A_209 = arith.remui %scan3A_128, %rem3A_208 : i32
        %dma_start3A_210 = arith.constant 0 : i32
        %dma_start3A_211 = arith.constant 0 : i32
        "tpu.trace_start"() <{level = 10 : i32, message = "ep_run_kernel"}> : () -> ()
        %dma_start3A_212 = arith.constant 0 : i32
        %dma_start3A_213 = arith.constant 0 : i32
        %dma_start3A_214 = arith.constant 0 : i32
        %dma_start3A_215 = tpu.memref_slice %run_scoped3A_8[%rem3A_209, %dma_start3A_212, %dma_start3A_213, %dma_start3A_214] : memref<2x8x50x128xf32, #tpu.memory_space<vmem>> -> memref<1x8x50x128xf32, #tpu.memory_space<vmem>>
        %dma_start3A_216 = tpu.memref_squeeze %dma_start3A_215 : memref<1x8x50x128xf32, #tpu.memory_space<vmem>> -> memref<8x50x128xf32, #tpu.memory_space<vmem>>
        %dma_start3A_217 = arith.constant 0 : i32
        %dma_start3A_218 = arith.constant 0 : i32
        %dma_start3A_219 = tpu.memref_slice %dma_start3A_216[%dma_start3A_211, %dma_start3A_217, %dma_start3A_218] : memref<8x50x128xf32, #tpu.memory_space<vmem>> -> memref<1x50x128xf32, #tpu.memory_space<vmem>>
        %dma_start3A_220 = tpu.memref_squeeze %dma_start3A_219 : memref<1x50x128xf32, #tpu.memory_space<vmem>> -> memref<50x128xf32, #tpu.memory_space<vmem>>
        %dma_start3A_221 = arith.constant 0 : i32
        %dma_start3A_222 = arith.constant 0 : i32
        %dma_start3A_223 = tpu.memref_slice %run_scoped3A[%rem3A_207, %dma_start3A_221, %dma_start3A_222] : memref<2x8x50xi32, #tpu.memory_space<vmem>> -> memref<1x8x50xi32, #tpu.memory_space<vmem>>
        %dma_start3A_224 = tpu.memref_squeeze %dma_start3A_223 : memref<1x8x50xi32, #tpu.memory_space<vmem>> -> memref<8x50xi32, #tpu.memory_space<vmem>>
        %dma_start3A_225 = arith.constant 0 : i32
        %dma_start3A_226 = tpu.memref_slice %dma_start3A_224[%dma_start3A_210, %dma_start3A_225] : memref<8x50xi32, #tpu.memory_space<vmem>> -> memref<1x50xi32, #tpu.memory_space<vmem>>
        %dma_start3A_227 = tpu.memref_squeeze %dma_start3A_226 : memref<1x50xi32, #tpu.memory_space<vmem>> -> memref<50xi32, #tpu.memory_space<vmem>>
        %dma_start3A_228 = arith.constant 0 : i32
        %dma_start3A_229 = arith.constant 0 : i32
        %dma_start3A_230 = tpu.memref_slice %arg2[%dma_start3A_228, %dma_start3A_229] : memref<1000000x128xf32, #tpu.memory_space<hbm>> -> memref<1000000x128xf32, #tpu.memory_space<hbm>>
        tpu.enqueue_indirect_dma source(%dma_start3A_230 : memref<1000000x128xf32, #tpu.memory_space<hbm>>) target(%dma_start3A_220 : memref<50x128xf32, #tpu.memory_space<vmem>>) offsets(%dma_start3A_227 : memref<50xi32, #tpu.memory_space<vmem>>) semaphore(%arg5 : memref<!tpu.dma_semaphore, #tpu.memory_space<semaphore_mem>>)
        %dma_start3A_231 = arith.constant 1 : i32
        %dma_start3A_232 = arith.constant 1 : i32
        %dma_start3A_233 = arith.constant 0 : i32
        %dma_start3A_234 = arith.constant 0 : i32
        %dma_start3A_235 = arith.constant 0 : i32
        %dma_start3A_236 = tpu.memref_slice %run_scoped3A_8[%rem3A_209, %dma_start3A_233, %dma_start3A_234, %dma_start3A_235] : memref<2x8x50x128xf32, #tpu.memory_space<vmem>> -> memref<1x8x50x128xf32, #tpu.memory_space<vmem>>
        %dma_start3A_237 = tpu.memref_squeeze %dma_start3A_236 : memref<1x8x50x128xf32, #tpu.memory_space<vmem>> -> memref<8x50x128xf32, #tpu.memory_space<vmem>>
        %dma_start3A_238 = arith.constant 0 : i32
        %dma_start3A_239 = arith.constant 0 : i32
        %dma_start3A_240 = tpu.memref_slice %dma_start3A_237[%dma_start3A_232, %dma_start3A_238, %dma_start3A_239] : memref<8x50x128xf32, #tpu.memory_space<vmem>> -> memref<1x50x128xf32, #tpu.memory_space<vmem>>
        %dma_start3A_241 = tpu.memref_squeeze %dma_start3A_240 : memref<1x50x128xf32, #tpu.memory_space<vmem>> -> memref<50x128xf32, #tpu.memory_space<vmem>>
        %dma_start3A_242 = arith.constant 0 : i32
        %dma_start3A_243 = arith.constant 0 : i32
        %dma_start3A_244 = tpu.memref_slice %run_scoped3A[%rem3A_207, %dma_start3A_242, %dma_start3A_243] : memref<2x8x50xi32, #tpu.memory_space<vmem>> -> memref<1x8x50xi32, #tpu.memory_space<vmem>>
        %dma_start3A_245 = tpu.memref_squeeze %dma_start3A_244 : memref<1x8x50xi32, #tpu.memory_space<vmem>> -> memref<8x50xi32, #tpu.memory_space<vmem>>
        %dma_start3A_246 = arith.constant 0 : i32
        %dma_start3A_247 = tpu.memref_slice %dma_start3A_245[%dma_start3A_231, %dma_start3A_246] : memref<8x50xi32, #tpu.memory_space<vmem>> -> memref<1x50xi32, #tpu.memory_space<vmem>>
        %dma_start3A_248 = tpu.memref_squeeze %dma_start3A_247 : memref<1x50xi32, #tpu.memory_space<vmem>> -> memref<50xi32, #tpu.memory_space<vmem>>
        %dma_start3A_249 = arith.constant 0 : i32
        %dma_start3A_250 = arith.constant 0 : i32
        %dma_start3A_251 = tpu.memref_slice %arg2[%dma_start3A_249, %dma_start3A_250] : memref<1000000x128xf32, #tpu.memory_space<hbm>> -> memref<1000000x128xf32, #tpu.memory_space<hbm>>
        tpu.enqueue_indirect_dma source(%dma_start3A_251 : memref<1000000x128xf32, #tpu.memory_space<hbm>>) target(%dma_start3A_241 : memref<50x128xf32, #tpu.memory_space<vmem>>) offsets(%dma_start3A_248 : memref<50xi32, #tpu.memory_space<vmem>>) semaphore(%arg5 : memref<!tpu.dma_semaphore, #tpu.memory_space<semaphore_mem>>)
        %dma_start3A_252 = arith.constant 2 : i32
        %dma_start3A_253 = arith.constant 2 : i32
        %dma_start3A_254 = arith.constant 0 : i32
        %dma_start3A_255 = arith.constant 0 : i32
        %dma_start3A_256 = arith.constant 0 : i32
        %dma_start3A_257 = tpu.memref_slice %run_scoped3A_8[%rem3A_209, %dma_start3A_254, %dma_start3A_255, %dma_start3A_256] : memref<2x8x50x128xf32, #tpu.memory_space<vmem>> -> memref<1x8x50x128xf32, #tpu.memory_space<vmem>>
        %dma_start3A_258 = tpu.memref_squeeze %dma_start3A_257 : memref<1x8x50x128xf32, #tpu.memory_space<vmem>> -> memref<8x50x128xf32, #tpu.memory_space<vmem>>
        %dma_start3A_259 = arith.constant 0 : i32
        %dma_start3A_260 = arith.constant 0 : i32
        %dma_start3A_261 = tpu.memref_slice %dma_start3A_258[%dma_start3A_253, %dma_start3A_259, %dma_start3A_260] : memref<8x50x128xf32, #tpu.memory_space<vmem>> -> memref<1x50x128xf32, #tpu.memory_space<vmem>>
        %dma_start3A_262 = tpu.memref_squeeze %dma_start3A_261 : memref<1x50x128xf32, #tpu.memory_space<vmem>> -> memref<50x128xf32, #tpu.memory_space<vmem>>
        %dma_start3A_263 = arith.constant 0 : i32
        %dma_start3A_264 = arith.constant 0 : i32
        %dma_start3A_265 = tpu.memref_slice %run_scoped3A[%rem3A_207, %dma_start3A_263, %dma_start3A_264] : memref<2x8x50xi32, #tpu.memory_space<vmem>> -> memref<1x8x50xi32, #tpu.memory_space<vmem>>
        %dma_start3A_266 = tpu.memref_squeeze %dma_start3A_265 : memref<1x8x50xi32, #tpu.memory_space<vmem>> -> memref<8x50xi32, #tpu.memory_space<vmem>>
        %dma_start3A_267 = arith.constant 0 : i32
        %dma_start3A_268 = tpu.memref_slice %dma_start3A_266[%dma_start3A_252, %dma_start3A_267] : memref<8x50xi32, #tpu.memory_space<vmem>> -> memref<1x50xi32, #tpu.memory_space<vmem>>
        %dma_start3A_269 = tpu.memref_squeeze %dma_start3A_268 : memref<1x50xi32, #tpu.memory_space<vmem>> -> memref<50xi32, #tpu.memory_space<vmem>>
        %dma_start3A_270 = arith.constant 0 : i32
        %dma_start3A_271 = arith.constant 0 : i32
        %dma_start3A_272 = tpu.memref_slice %arg2[%dma_start3A_270, %dma_start3A_271] : memref<1000000x128xf32, #tpu.memory_space<hbm>> -> memref<1000000x128xf32, #tpu.memory_space<hbm>>
        tpu.enqueue_indirect_dma source(%dma_start3A_272 : memref<1000000x128xf32, #tpu.memory_space<hbm>>) target(%dma_start3A_262 : memref<50x128xf32, #tpu.memory_space<vmem>>) offsets(%dma_start3A_269 : memref<50xi32, #tpu.memory_space<vmem>>) semaphore(%arg5 : memref<!tpu.dma_semaphore, #tpu.memory_space<semaphore_mem>>)
        %dma_start3A_273 = arith.constant 3 : i32
        %dma_start3A_274 = arith.constant 3 : i32
        %dma_start3A_275 = arith.constant 0 : i32
        %dma_start3A_276 = arith.constant 0 : i32
        %dma_start3A_277 = arith.constant 0 : i32
        %dma_start3A_278 = tpu.memref_slice %run_scoped3A_8[%rem3A_209, %dma_start3A_275, %dma_start3A_276, %dma_start3A_277] : memref<2x8x50x128xf32, #tpu.memory_space<vmem>> -> memref<1x8x50x128xf32, #tpu.memory_space<vmem>>
        %dma_start3A_279 = tpu.memref_squeeze %dma_start3A_278 : memref<1x8x50x128xf32, #tpu.memory_space<vmem>> -> memref<8x50x128xf32, #tpu.memory_space<vmem>>
        %dma_start3A_280 = arith.constant 0 : i32
        %dma_start3A_281 = arith.constant 0 : i32
        %dma_start3A_282 = tpu.memref_slice %dma_start3A_279[%dma_start3A_274, %dma_start3A_280, %dma_start3A_281] : memref<8x50x128xf32, #tpu.memory_space<vmem>> -> memref<1x50x128xf32, #tpu.memory_space<vmem>>
        %dma_start3A_283 = tpu.memref_squeeze %dma_start3A_282 : memref<1x50x128xf32, #tpu.memory_space<vmem>> -> memref<50x128xf32, #tpu.memory_space<vmem>>
        %dma_start3A_284 = arith.constant 0 : i32
        %dma_start3A_285 = arith.constant 0 : i32
        %dma_start3A_286 = tpu.memref_slice %run_scoped3A[%rem3A_207, %dma_start3A_284, %dma_start3A_285] : memref<2x8x50xi32, #tpu.memory_space<vmem>> -> memref<1x8x50xi32, #tpu.memory_space<vmem>>
        %dma_start3A_287 = tpu.memref_squeeze %dma_start3A_286 : memref<1x8x50xi32, #tpu.memory_space<vmem>> -> memref<8x50xi32, #tpu.memory_space<vmem>>
        %dma_start3A_288 = arith.constant 0 : i32
        %dma_start3A_289 = tpu.memref_slice %dma_start3A_287[%dma_start3A_273, %dma_start3A_288] : memref<8x50xi32, #tpu.memory_space<vmem>> -> memref<1x50xi32, #tpu.memory_space<vmem>>
        %dma_start3A_290 = tpu.memref_squeeze %dma_start3A_289 : memref<1x50xi32, #tpu.memory_space<vmem>> -> memref<50xi32, #tpu.memory_space<vmem>>
        %dma_start3A_291 = arith.constant 0 : i32
        %dma_start3A_292 = arith.constant 0 : i32
        %dma_start3A_293 = tpu.memref_slice %arg2[%dma_start3A_291, %dma_start3A_292] : memref<1000000x128xf32, #tpu.memory_space<hbm>> -> memref<1000000x128xf32, #tpu.memory_space<hbm>>
        tpu.enqueue_indirect_dma source(%dma_start3A_293 : memref<1000000x128xf32, #tpu.memory_space<hbm>>) target(%dma_start3A_283 : memref<50x128xf32, #tpu.memory_space<vmem>>) offsets(%dma_start3A_290 : memref<50xi32, #tpu.memory_space<vmem>>) semaphore(%arg5 : memref<!tpu.dma_semaphore, #tpu.memory_space<semaphore_mem>>)
        %dma_start3A_294 = arith.constant 4 : i32
        %dma_start3A_295 = arith.constant 4 : i32
        %dma_start3A_296 = arith.constant 0 : i32
        %dma_start3A_297 = arith.constant 0 : i32
        %dma_start3A_298 = arith.constant 0 : i32
        %dma_start3A_299 = tpu.memref_slice %run_scoped3A_8[%rem3A_209, %dma_start3A_296, %dma_start3A_297, %dma_start3A_298] : memref<2x8x50x128xf32, #tpu.memory_space<vmem>> -> memref<1x8x50x128xf32, #tpu.memory_space<vmem>>
        %dma_start3A_300 = tpu.memref_squeeze %dma_start3A_299 : memref<1x8x50x128xf32, #tpu.memory_space<vmem>> -> memref<8x50x128xf32, #tpu.memory_space<vmem>>
        %dma_start3A_301 = arith.constant 0 : i32
        %dma_start3A_302 = arith.constant 0 : i32
        %dma_start3A_303 = tpu.memref_slice %dma_start3A_300[%dma_start3A_295, %dma_start3A_301, %dma_start3A_302] : memref<8x50x128xf32, #tpu.memory_space<vmem>> -> memref<1x50x128xf32, #tpu.memory_space<vmem>>
        %dma_start3A_304 = tpu.memref_squeeze %dma_start3A_303 : memref<1x50x128xf32, #tpu.memory_space<vmem>> -> memref<50x128xf32, #tpu.memory_space<vmem>>
        %dma_start3A_305 = arith.constant 0 : i32
        %dma_start3A_306 = arith.constant 0 : i32
        %dma_start3A_307 = tpu.memref_slice %run_scoped3A[%rem3A_207, %dma_start3A_305, %dma_start3A_306] : memref<2x8x50xi32, #tpu.memory_space<vmem>> -> memref<1x8x50xi32, #tpu.memory_space<vmem>>
        %dma_start3A_308 = tpu.memref_squeeze %dma_start3A_307 : memref<1x8x50xi32, #tpu.memory_space<vmem>> -> memref<8x50xi32, #tpu.memory_space<vmem>>
        %dma_start3A_309 = arith.constant 0 : i32
        %dma_start3A_310 = tpu.memref_slice %dma_start3A_308[%dma_start3A_294, %dma_start3A_309] : memref<8x50xi32, #tpu.memory_space<vmem>> -> memref<1x50xi32, #tpu.memory_space<vmem>>
        %dma_start3A_311 = tpu.memref_squeeze %dma_start3A_310 : memref<1x50xi32, #tpu.memory_space<vmem>> -> memref<50xi32, #tpu.memory_space<vmem>>
        %dma_start3A_312 = arith.constant 0 : i32
        %dma_start3A_313 = arith.constant 0 : i32
        %dma_start3A_314 = tpu.memref_slice %arg2[%dma_start3A_312, %dma_start3A_313] : memref<1000000x128xf32, #tpu.memory_space<hbm>> -> memref<1000000x128xf32, #tpu.memory_space<hbm>>
        tpu.enqueue_indirect_dma source(%dma_start3A_314 : memref<1000000x128xf32, #tpu.memory_space<hbm>>) target(%dma_start3A_304 : memref<50x128xf32, #tpu.memory_space<vmem>>) offsets(%dma_start3A_311 : memref<50xi32, #tpu.memory_space<vmem>>) semaphore(%arg5 : memref<!tpu.dma_semaphore, #tpu.memory_space<semaphore_mem>>)
        %dma_start3A_315 = arith.constant 5 : i32
        %dma_start3A_316 = arith.constant 5 : i32
        %dma_start3A_317 = arith.constant 0 : i32
        %dma_start3A_318 = arith.constant 0 : i32
        %dma_start3A_319 = arith.constant 0 : i32
        %dma_start3A_320 = tpu.memref_slice %run_scoped3A_8[%rem3A_209, %dma_start3A_317, %dma_start3A_318, %dma_start3A_319] : memref<2x8x50x128xf32, #tpu.memory_space<vmem>> -> memref<1x8x50x128xf32, #tpu.memory_space<vmem>>
        %dma_start3A_321 = tpu.memref_squeeze %dma_start3A_320 : memref<1x8x50x128xf32, #tpu.memory_space<vmem>> -> memref<8x50x128xf32, #tpu.memory_space<vmem>>
        %dma_start3A_322 = arith.constant 0 : i32
        %dma_start3A_323 = arith.constant 0 : i32
        %dma_start3A_324 = tpu.memref_slice %dma_start3A_321[%dma_start3A_316, %dma_start3A_322, %dma_start3A_323] : memref<8x50x128xf32, #tpu.memory_space<vmem>> -> memref<1x50x128xf32, #tpu.memory_space<vmem>>
        %dma_start3A_325 = tpu.memref_squeeze %dma_start3A_324 : memref<1x50x128xf32, #tpu.memory_space<vmem>> -> memref<50x128xf32, #tpu.memory_space<vmem>>
        %dma_start3A_326 = arith.constant 0 : i32
        %dma_start3A_327 = arith.constant 0 : i32
        %dma_start3A_328 = tpu.memref_slice %run_scoped3A[%rem3A_207, %dma_start3A_326, %dma_start3A_327] : memref<2x8x50xi32, #tpu.memory_space<vmem>> -> memref<1x8x50xi32, #tpu.memory_space<vmem>>
        %dma_start3A_329 = tpu.memref_squeeze %dma_start3A_328 : memref<1x8x50xi32, #tpu.memory_space<vmem>> -> memref<8x50xi32, #tpu.memory_space<vmem>>
        %dma_start3A_330 = arith.constant 0 : i32
        %dma_start3A_331 = tpu.memref_slice %dma_start3A_329[%dma_start3A_315, %dma_start3A_330] : memref<8x50xi32, #tpu.memory_space<vmem>> -> memref<1x50xi32, #tpu.memory_space<vmem>>
        %dma_start3A_332 = tpu.memref_squeeze %dma_start3A_331 : memref<1x50xi32, #tpu.memory_space<vmem>> -> memref<50xi32, #tpu.memory_space<vmem>>
        %dma_start3A_333 = arith.constant 0 : i32
        %dma_start3A_334 = arith.constant 0 : i32
        %dma_start3A_335 = tpu.memref_slice %arg2[%dma_start3A_333, %dma_start3A_334] : memref<1000000x128xf32, #tpu.memory_space<hbm>> -> memref<1000000x128xf32, #tpu.memory_space<hbm>>
        tpu.enqueue_indirect_dma source(%dma_start3A_335 : memref<1000000x128xf32, #tpu.memory_space<hbm>>) target(%dma_start3A_325 : memref<50x128xf32, #tpu.memory_space<vmem>>) offsets(%dma_start3A_332 : memref<50xi32, #tpu.memory_space<vmem>>) semaphore(%arg5 : memref<!tpu.dma_semaphore, #tpu.memory_space<semaphore_mem>>)
        %dma_start3A_336 = arith.constant 6 : i32
        %dma_start3A_337 = arith.constant 6 : i32
        %dma_start3A_338 = arith.constant 0 : i32
        %dma_start3A_339 = arith.constant 0 : i32
        %dma_start3A_340 = arith.constant 0 : i32
        %dma_start3A_341 = tpu.memref_slice %run_scoped3A_8[%rem3A_209, %dma_start3A_338, %dma_start3A_339, %dma_start3A_340] : memref<2x8x50x128xf32, #tpu.memory_space<vmem>> -> memref<1x8x50x128xf32, #tpu.memory_space<vmem>>
        %dma_start3A_342 = tpu.memref_squeeze %dma_start3A_341 : memref<1x8x50x128xf32, #tpu.memory_space<vmem>> -> memref<8x50x128xf32, #tpu.memory_space<vmem>>
        %dma_start3A_343 = arith.constant 0 : i32
        %dma_start3A_344 = arith.constant 0 : i32
        %dma_start3A_345 = tpu.memref_slice %dma_start3A_342[%dma_start3A_337, %dma_start3A_343, %dma_start3A_344] : memref<8x50x128xf32, #tpu.memory_space<vmem>> -> memref<1x50x128xf32, #tpu.memory_space<vmem>>
        %dma_start3A_346 = tpu.memref_squeeze %dma_start3A_345 : memref<1x50x128xf32, #tpu.memory_space<vmem>> -> memref<50x128xf32, #tpu.memory_space<vmem>>
        %dma_start3A_347 = arith.constant 0 : i32
        %dma_start3A_348 = arith.constant 0 : i32
        %dma_start3A_349 = tpu.memref_slice %run_scoped3A[%rem3A_207, %dma_start3A_347, %dma_start3A_348] : memref<2x8x50xi32, #tpu.memory_space<vmem>> -> memref<1x8x50xi32, #tpu.memory_space<vmem>>
        %dma_start3A_350 = tpu.memref_squeeze %dma_start3A_349 : memref<1x8x50xi32, #tpu.memory_space<vmem>> -> memref<8x50xi32, #tpu.memory_space<vmem>>
        %dma_start3A_351 = arith.constant 0 : i32
        %dma_start3A_352 = tpu.memref_slice %dma_start3A_350[%dma_start3A_336, %dma_start3A_351] : memref<8x50xi32, #tpu.memory_space<vmem>> -> memref<1x50xi32, #tpu.memory_space<vmem>>
        %dma_start3A_353 = tpu.memref_squeeze %dma_start3A_352 : memref<1x50xi32, #tpu.memory_space<vmem>> -> memref<50xi32, #tpu.memory_space<vmem>>
        %dma_start3A_354 = arith.constant 0 : i32
        %dma_start3A_355 = arith.constant 0 : i32
        %dma_start3A_356 = tpu.memref_slice %arg2[%dma_start3A_354, %dma_start3A_355] : memref<1000000x128xf32, #tpu.memory_space<hbm>> -> memref<1000000x128xf32, #tpu.memory_space<hbm>>
        tpu.enqueue_indirect_dma source(%dma_start3A_356 : memref<1000000x128xf32, #tpu.memory_space<hbm>>) target(%dma_start3A_346 : memref<50x128xf32, #tpu.memory_space<vmem>>) offsets(%dma_start3A_353 : memref<50xi32, #tpu.memory_space<vmem>>) semaphore(%arg5 : memref<!tpu.dma_semaphore, #tpu.memory_space<semaphore_mem>>)
        %dma_start3A_357 = arith.constant 7 : i32
        %dma_start3A_358 = arith.constant 7 : i32
        %dma_start3A_359 = arith.constant 0 : i32
        %dma_start3A_360 = arith.constant 0 : i32
        %dma_start3A_361 = arith.constant 0 : i32
        %dma_start3A_362 = tpu.memref_slice %run_scoped3A_8[%rem3A_209, %dma_start3A_359, %dma_start3A_360, %dma_start3A_361] : memref<2x8x50x128xf32, #tpu.memory_space<vmem>> -> memref<1x8x50x128xf32, #tpu.memory_space<vmem>>
        %dma_start3A_363 = tpu.memref_squeeze %dma_start3A_362 : memref<1x8x50x128xf32, #tpu.memory_space<vmem>> -> memref<8x50x128xf32, #tpu.memory_space<vmem>>
        %dma_start3A_364 = arith.constant 0 : i32
        %dma_start3A_365 = arith.constant 0 : i32
        %dma_start3A_366 = tpu.memref_slice %dma_start3A_363[%dma_start3A_358, %dma_start3A_364, %dma_start3A_365] : memref<8x50x128xf32, #tpu.memory_space<vmem>> -> memref<1x50x128xf32, #tpu.memory_space<vmem>>
        %dma_start3A_367 = tpu.memref_squeeze %dma_start3A_366 : memref<1x50x128xf32, #tpu.memory_space<vmem>> -> memref<50x128xf32, #tpu.memory_space<vmem>>
        %dma_start3A_368 = arith.constant 0 : i32
        %dma_start3A_369 = arith.constant 0 : i32
        %dma_start3A_370 = tpu.memref_slice %run_scoped3A[%rem3A_207, %dma_start3A_368, %dma_start3A_369] : memref<2x8x50xi32, #tpu.memory_space<vmem>> -> memref<1x8x50xi32, #tpu.memory_space<vmem>>
        %dma_start3A_371 = tpu.memref_squeeze %dma_start3A_370 : memref<1x8x50xi32, #tpu.memory_space<vmem>> -> memref<8x50xi32, #tpu.memory_space<vmem>>
        %dma_start3A_372 = arith.constant 0 : i32
        %dma_start3A_373 = tpu.memref_slice %dma_start3A_371[%dma_start3A_357, %dma_start3A_372] : memref<8x50xi32, #tpu.memory_space<vmem>> -> memref<1x50xi32, #tpu.memory_space<vmem>>
        %dma_start3A_374 = tpu.memref_squeeze %dma_start3A_373 : memref<1x50xi32, #tpu.memory_space<vmem>> -> memref<50xi32, #tpu.memory_space<vmem>>
        %dma_start3A_375 = arith.constant 0 : i32
        %dma_start3A_376 = arith.constant 0 : i32
        %dma_start3A_377 = tpu.memref_slice %arg2[%dma_start3A_375, %dma_start3A_376] : memref<1000000x128xf32, #tpu.memory_space<hbm>> -> memref<1000000x128xf32, #tpu.memory_space<hbm>>
        tpu.enqueue_indirect_dma source(%dma_start3A_377 : memref<1000000x128xf32, #tpu.memory_space<hbm>>) target(%dma_start3A_367 : memref<50x128xf32, #tpu.memory_space<vmem>>) offsets(%dma_start3A_374 : memref<50xi32, #tpu.memory_space<vmem>>) semaphore(%arg5 : memref<!tpu.dma_semaphore, #tpu.memory_space<semaphore_mem>>)
        %dma_wait3A_378 = arith.constant 0 : i32
        %dma_wait3A_379 = arith.constant 0 : i32
        %dma_wait3A_380 = arith.constant 0 : i32
        %dma_wait3A_381 = arith.constant 0 : i32
        %dma_wait3A_382 = arith.constant 0 : i32
        %dma_wait3A_383 = tpu.memref_slice %run_scoped3A_8[%rem3A_209, %dma_wait3A_380, %dma_wait3A_381, %dma_wait3A_382] : memref<2x8x50x128xf32, #tpu.memory_space<vmem>> -> memref<1x8x50x128xf32, #tpu.memory_space<vmem>>
        %dma_wait3A_384 = tpu.memref_squeeze %dma_wait3A_383 : memref<1x8x50x128xf32, #tpu.memory_space<vmem>> -> memref<8x50x128xf32, #tpu.memory_space<vmem>>
        %dma_wait3A_385 = arith.constant 0 : i32
        %dma_wait3A_386 = arith.constant 0 : i32
        %dma_wait3A_387 = tpu.memref_slice %dma_wait3A_384[%dma_wait3A_379, %dma_wait3A_385, %dma_wait3A_386] : memref<8x50x128xf32, #tpu.memory_space<vmem>> -> memref<1x50x128xf32, #tpu.memory_space<vmem>>
        %dma_wait3A_388 = tpu.memref_squeeze %dma_wait3A_387 : memref<1x50x128xf32, #tpu.memory_space<vmem>> -> memref<50x128xf32, #tpu.memory_space<vmem>>
        %dma_wait3A_389 = arith.constant 0 : i32
        %dma_wait3A_390 = arith.constant 0 : i32
        %dma_wait3A_391 = tpu.memref_slice %run_scoped3A[%rem3A_207, %dma_wait3A_389, %dma_wait3A_390] : memref<2x8x50xi32, #tpu.memory_space<vmem>> -> memref<1x8x50xi32, #tpu.memory_space<vmem>>
        %dma_wait3A_392 = tpu.memref_squeeze %dma_wait3A_391 : memref<1x8x50xi32, #tpu.memory_space<vmem>> -> memref<8x50xi32, #tpu.memory_space<vmem>>
        %dma_wait3A_393 = arith.constant 0 : i32
        %dma_wait3A_394 = tpu.memref_slice %dma_wait3A_392[%dma_wait3A_378, %dma_wait3A_393] : memref<8x50xi32, #tpu.memory_space<vmem>> -> memref<1x50xi32, #tpu.memory_space<vmem>>
        %dma_wait3A_395 = tpu.memref_squeeze %dma_wait3A_394 : memref<1x50xi32, #tpu.memory_space<vmem>> -> memref<50xi32, #tpu.memory_space<vmem>>
        %dma_wait3A_396 = arith.constant 0 : i32
        %dma_wait3A_397 = arith.constant 0 : i32
        %dma_wait3A_398 = tpu.memref_slice %arg2[%dma_wait3A_396, %dma_wait3A_397] : memref<1000000x128xf32, #tpu.memory_space<hbm>> -> memref<1000000x128xf32, #tpu.memory_space<hbm>>
        tpu.wait_indirect_dma semaphore(%arg5 : memref<!tpu.dma_semaphore, #tpu.memory_space<semaphore_mem>>) src(%dma_wait3A_398 : memref<1000000x128xf32, #tpu.memory_space<hbm>>) dst(%dma_wait3A_388 : memref<50x128xf32, #tpu.memory_space<vmem>>)
        %dma_wait3A_399 = arith.constant 1 : i32
        %dma_wait3A_400 = arith.constant 1 : i32
        %dma_wait3A_401 = arith.constant 0 : i32
        %dma_wait3A_402 = arith.constant 0 : i32
        %dma_wait3A_403 = arith.constant 0 : i32
        %dma_wait3A_404 = tpu.memref_slice %run_scoped3A_8[%rem3A_209, %dma_wait3A_401, %dma_wait3A_402, %dma_wait3A_403] : memref<2x8x50x128xf32, #tpu.memory_space<vmem>> -> memref<1x8x50x128xf32, #tpu.memory_space<vmem>>
        %dma_wait3A_405 = tpu.memref_squeeze %dma_wait3A_404 : memref<1x8x50x128xf32, #tpu.memory_space<vmem>> -> memref<8x50x128xf32, #tpu.memory_space<vmem>>
        %dma_wait3A_406 = arith.constant 0 : i32
        %dma_wait3A_407 = arith.constant 0 : i32
        %dma_wait3A_408 = tpu.memref_slice %dma_wait3A_405[%dma_wait3A_400, %dma_wait3A_406, %dma_wait3A_407] : memref<8x50x128xf32, #tpu.memory_space<vmem>> -> memref<1x50x128xf32, #tpu.memory_space<vmem>>
        %dma_wait3A_409 = tpu.memref_squeeze %dma_wait3A_408 : memref<1x50x128xf32, #tpu.memory_space<vmem>> -> memref<50x128xf32, #tpu.memory_space<vmem>>
        %dma_wait3A_410 = arith.constant 0 : i32
        %dma_wait3A_411 = arith.constant 0 : i32
        %dma_wait3A_412 = tpu.memref_slice %run_scoped3A[%rem3A_207, %dma_wait3A_410, %dma_wait3A_411] : memref<2x8x50xi32, #tpu.memory_space<vmem>> -> memref<1x8x50xi32, #tpu.memory_space<vmem>>
        %dma_wait3A_413 = tpu.memref_squeeze %dma_wait3A_412 : memref<1x8x50xi32, #tpu.memory_space<vmem>> -> memref<8x50xi32, #tpu.memory_space<vmem>>
        %dma_wait3A_414 = arith.constant 0 : i32
        %dma_wait3A_415 = tpu.memref_slice %dma_wait3A_413[%dma_wait3A_399, %dma_wait3A_414] : memref<8x50xi32, #tpu.memory_space<vmem>> -> memref<1x50xi32, #tpu.memory_space<vmem>>
        %dma_wait3A_416 = tpu.memref_squeeze %dma_wait3A_415 : memref<1x50xi32, #tpu.memory_space<vmem>> -> memref<50xi32, #tpu.memory_space<vmem>>
        %dma_wait3A_417 = arith.constant 0 : i32
        %dma_wait3A_418 = arith.constant 0 : i32
        %dma_wait3A_419 = tpu.memref_slice %arg2[%dma_wait3A_417, %dma_wait3A_418] : memref<1000000x128xf32, #tpu.memory_space<hbm>> -> memref<1000000x128xf32, #tpu.memory_space<hbm>>
        tpu.wait_indirect_dma semaphore(%arg5 : memref<!tpu.dma_semaphore, #tpu.memory_space<semaphore_mem>>) src(%dma_wait3A_419 : memref<1000000x128xf32, #tpu.memory_space<hbm>>) dst(%dma_wait3A_409 : memref<50x128xf32, #tpu.memory_space<vmem>>)
        %dma_wait3A_420 = arith.constant 2 : i32
        %dma_wait3A_421 = arith.constant 2 : i32
        %dma_wait3A_422 = arith.constant 0 : i32
        %dma_wait3A_423 = arith.constant 0 : i32
        %dma_wait3A_424 = arith.constant 0 : i32
        %dma_wait3A_425 = tpu.memref_slice %run_scoped3A_8[%rem3A_209, %dma_wait3A_422, %dma_wait3A_423, %dma_wait3A_424] : memref<2x8x50x128xf32, #tpu.memory_space<vmem>> -> memref<1x8x50x128xf32, #tpu.memory_space<vmem>>
        %dma_wait3A_426 = tpu.memref_squeeze %dma_wait3A_425 : memref<1x8x50x128xf32, #tpu.memory_space<vmem>> -> memref<8x50x128xf32, #tpu.memory_space<vmem>>
        %dma_wait3A_427 = arith.constant 0 : i32
        %dma_wait3A_428 = arith.constant 0 : i32
        %dma_wait3A_429 = tpu.memref_slice %dma_wait3A_426[%dma_wait3A_421, %dma_wait3A_427, %dma_wait3A_428] : memref<8x50x128xf32, #tpu.memory_space<vmem>> -> memref<1x50x128xf32, #tpu.memory_space<vmem>>
        %dma_wait3A_430 = tpu.memref_squeeze %dma_wait3A_429 : memref<1x50x128xf32, #tpu.memory_space<vmem>> -> memref<50x128xf32, #tpu.memory_space<vmem>>
        %dma_wait3A_431 = arith.constant 0 : i32
        %dma_wait3A_432 = arith.constant 0 : i32
        %dma_wait3A_433 = tpu.memref_slice %run_scoped3A[%rem3A_207, %dma_wait3A_431, %dma_wait3A_432] : memref<2x8x50xi32, #tpu.memory_space<vmem>> -> memref<1x8x50xi32, #tpu.memory_space<vmem>>
        %dma_wait3A_434 = tpu.memref_squeeze %dma_wait3A_433 : memref<1x8x50xi32, #tpu.memory_space<vmem>> -> memref<8x50xi32, #tpu.memory_space<vmem>>
        %dma_wait3A_435 = arith.constant 0 : i32
        %dma_wait3A_436 = tpu.memref_slice %dma_wait3A_434[%dma_wait3A_420, %dma_wait3A_435] : memref<8x50xi32, #tpu.memory_space<vmem>> -> memref<1x50xi32, #tpu.memory_space<vmem>>
        %dma_wait3A_437 = tpu.memref_squeeze %dma_wait3A_436 : memref<1x50xi32, #tpu.memory_space<vmem>> -> memref<50xi32, #tpu.memory_space<vmem>>
        %dma_wait3A_438 = arith.constant 0 : i32
        %dma_wait3A_439 = arith.constant 0 : i32
        %dma_wait3A_440 = tpu.memref_slice %arg2[%dma_wait3A_438, %dma_wait3A_439] : memref<1000000x128xf32, #tpu.memory_space<hbm>> -> memref<1000000x128xf32, #tpu.memory_space<hbm>>
        tpu.wait_indirect_dma semaphore(%arg5 : memref<!tpu.dma_semaphore, #tpu.memory_space<semaphore_mem>>) src(%dma_wait3A_440 : memref<1000000x128xf32, #tpu.memory_space<hbm>>) dst(%dma_wait3A_430 : memref<50x128xf32, #tpu.memory_space<vmem>>)
        %dma_wait3A_441 = arith.constant 3 : i32
        %dma_wait3A_442 = arith.constant 3 : i32
        %dma_wait3A_443 = arith.constant 0 : i32
        %dma_wait3A_444 = arith.constant 0 : i32
        %dma_wait3A_445 = arith.constant 0 : i32
        %dma_wait3A_446 = tpu.memref_slice %run_scoped3A_8[%rem3A_209, %dma_wait3A_443, %dma_wait3A_444, %dma_wait3A_445] : memref<2x8x50x128xf32, #tpu.memory_space<vmem>> -> memref<1x8x50x128xf32, #tpu.memory_space<vmem>>
        %dma_wait3A_447 = tpu.memref_squeeze %dma_wait3A_446 : memref<1x8x50x128xf32, #tpu.memory_space<vmem>> -> memref<8x50x128xf32, #tpu.memory_space<vmem>>
        %dma_wait3A_448 = arith.constant 0 : i32
        %dma_wait3A_449 = arith.constant 0 : i32
        %dma_wait3A_450 = tpu.memref_slice %dma_wait3A_447[%dma_wait3A_442, %dma_wait3A_448, %dma_wait3A_449] : memref<8x50x128xf32, #tpu.memory_space<vmem>> -> memref<1x50x128xf32, #tpu.memory_space<vmem>>
        %dma_wait3A_451 = tpu.memref_squeeze %dma_wait3A_450 : memref<1x50x128xf32, #tpu.memory_space<vmem>> -> memref<50x128xf32, #tpu.memory_space<vmem>>
        %dma_wait3A_452 = arith.constant 0 : i32
        %dma_wait3A_453 = arith.constant 0 : i32
        %dma_wait3A_454 = tpu.memref_slice %run_scoped3A[%rem3A_207, %dma_wait3A_452, %dma_wait3A_453] : memref<2x8x50xi32, #tpu.memory_space<vmem>> -> memref<1x8x50xi32, #tpu.memory_space<vmem>>
        %dma_wait3A_455 = tpu.memref_squeeze %dma_wait3A_454 : memref<1x8x50xi32, #tpu.memory_space<vmem>> -> memref<8x50xi32, #tpu.memory_space<vmem>>
        %dma_wait3A_456 = arith.constant 0 : i32
        %dma_wait3A_457 = tpu.memref_slice %dma_wait3A_455[%dma_wait3A_441, %dma_wait3A_456] : memref<8x50xi32, #tpu.memory_space<vmem>> -> memref<1x50xi32, #tpu.memory_space<vmem>>
        %dma_wait3A_458 = tpu.memref_squeeze %dma_wait3A_457 : memref<1x50xi32, #tpu.memory_space<vmem>> -> memref<50xi32, #tpu.memory_space<vmem>>
        %dma_wait3A_459 = arith.constant 0 : i32
        %dma_wait3A_460 = arith.constant 0 : i32
        %dma_wait3A_461 = tpu.memref_slice %arg2[%dma_wait3A_459, %dma_wait3A_460] : memref<1000000x128xf32, #tpu.memory_space<hbm>> -> memref<1000000x128xf32, #tpu.memory_space<hbm>>
        tpu.wait_indirect_dma semaphore(%arg5 : memref<!tpu.dma_semaphore, #tpu.memory_space<semaphore_mem>>) src(%dma_wait3A_461 : memref<1000000x128xf32, #tpu.memory_space<hbm>>) dst(%dma_wait3A_451 : memref<50x128xf32, #tpu.memory_space<vmem>>)
        %dma_wait3A_462 = arith.constant 4 : i32
        %dma_wait3A_463 = arith.constant 4 : i32
        %dma_wait3A_464 = arith.constant 0 : i32
        %dma_wait3A_465 = arith.constant 0 : i32
        %dma_wait3A_466 = arith.constant 0 : i32
        %dma_wait3A_467 = tpu.memref_slice %run_scoped3A_8[%rem3A_209, %dma_wait3A_464, %dma_wait3A_465, %dma_wait3A_466] : memref<2x8x50x128xf32, #tpu.memory_space<vmem>> -> memref<1x8x50x128xf32, #tpu.memory_space<vmem>>
        %dma_wait3A_468 = tpu.memref_squeeze %dma_wait3A_467 : memref<1x8x50x128xf32, #tpu.memory_space<vmem>> -> memref<8x50x128xf32, #tpu.memory_space<vmem>>
        %dma_wait3A_469 = arith.constant 0 : i32
        %dma_wait3A_470 = arith.constant 0 : i32
        %dma_wait3A_471 = tpu.memref_slice %dma_wait3A_468[%dma_wait3A_463, %dma_wait3A_469, %dma_wait3A_470] : memref<8x50x128xf32, #tpu.memory_space<vmem>> -> memref<1x50x128xf32, #tpu.memory_space<vmem>>
        %dma_wait3A_472 = tpu.memref_squeeze %dma_wait3A_471 : memref<1x50x128xf32, #tpu.memory_space<vmem>> -> memref<50x128xf32, #tpu.memory_space<vmem>>
        %dma_wait3A_473 = arith.constant 0 : i32
        %dma_wait3A_474 = arith.constant 0 : i32
        %dma_wait3A_475 = tpu.memref_slice %run_scoped3A[%rem3A_207, %dma_wait3A_473, %dma_wait3A_474] : memref<2x8x50xi32, #tpu.memory_space<vmem>> -> memref<1x8x50xi32, #tpu.memory_space<vmem>>
        %dma_wait3A_476 = tpu.memref_squeeze %dma_wait3A_475 : memref<1x8x50xi32, #tpu.memory_space<vmem>> -> memref<8x50xi32, #tpu.memory_space<vmem>>
        %dma_wait3A_477 = arith.constant 0 : i32
        %dma_wait3A_478 = tpu.memref_slice %dma_wait3A_476[%dma_wait3A_462, %dma_wait3A_477] : memref<8x50xi32, #tpu.memory_space<vmem>> -> memref<1x50xi32, #tpu.memory_space<vmem>>
        %dma_wait3A_479 = tpu.memref_squeeze %dma_wait3A_478 : memref<1x50xi32, #tpu.memory_space<vmem>> -> memref<50xi32, #tpu.memory_space<vmem>>
        %dma_wait3A_480 = arith.constant 0 : i32
        %dma_wait3A_481 = arith.constant 0 : i32
        %dma_wait3A_482 = tpu.memref_slice %arg2[%dma_wait3A_480, %dma_wait3A_481] : memref<1000000x128xf32, #tpu.memory_space<hbm>> -> memref<1000000x128xf32, #tpu.memory_space<hbm>>
        tpu.wait_indirect_dma semaphore(%arg5 : memref<!tpu.dma_semaphore, #tpu.memory_space<semaphore_mem>>) src(%dma_wait3A_482 : memref<1000000x128xf32, #tpu.memory_space<hbm>>) dst(%dma_wait3A_472 : memref<50x128xf32, #tpu.memory_space<vmem>>)
        %dma_wait3A_483 = arith.constant 5 : i32
        %dma_wait3A_484 = arith.constant 5 : i32
        %dma_wait3A_485 = arith.constant 0 : i32
        %dma_wait3A_486 = arith.constant 0 : i32
        %dma_wait3A_487 = arith.constant 0 : i32
        %dma_wait3A_488 = tpu.memref_slice %run_scoped3A_8[%rem3A_209, %dma_wait3A_485, %dma_wait3A_486, %dma_wait3A_487] : memref<2x8x50x128xf32, #tpu.memory_space<vmem>> -> memref<1x8x50x128xf32, #tpu.memory_space<vmem>>
        %dma_wait3A_489 = tpu.memref_squeeze %dma_wait3A_488 : memref<1x8x50x128xf32, #tpu.memory_space<vmem>> -> memref<8x50x128xf32, #tpu.memory_space<vmem>>
        %dma_wait3A_490 = arith.constant 0 : i32
        %dma_wait3A_491 = arith.constant 0 : i32
        %dma_wait3A_492 = tpu.memref_slice %dma_wait3A_489[%dma_wait3A_484, %dma_wait3A_490, %dma_wait3A_491] : memref<8x50x128xf32, #tpu.memory_space<vmem>> -> memref<1x50x128xf32, #tpu.memory_space<vmem>>
        %dma_wait3A_493 = tpu.memref_squeeze %dma_wait3A_492 : memref<1x50x128xf32, #tpu.memory_space<vmem>> -> memref<50x128xf32, #tpu.memory_space<vmem>>
        %dma_wait3A_494 = arith.constant 0 : i32
        %dma_wait3A_495 = arith.constant 0 : i32
        %dma_wait3A_496 = tpu.memref_slice %run_scoped3A[%rem3A_207, %dma_wait3A_494, %dma_wait3A_495] : memref<2x8x50xi32, #tpu.memory_space<vmem>> -> memref<1x8x50xi32, #tpu.memory_space<vmem>>
        %dma_wait3A_497 = tpu.memref_squeeze %dma_wait3A_496 : memref<1x8x50xi32, #tpu.memory_space<vmem>> -> memref<8x50xi32, #tpu.memory_space<vmem>>
        %dma_wait3A_498 = arith.constant 0 : i32
        %dma_wait3A_499 = tpu.memref_slice %dma_wait3A_497[%dma_wait3A_483, %dma_wait3A_498] : memref<8x50xi32, #tpu.memory_space<vmem>> -> memref<1x50xi32, #tpu.memory_space<vmem>>
        %dma_wait3A_500 = tpu.memref_squeeze %dma_wait3A_499 : memref<1x50xi32, #tpu.memory_space<vmem>> -> memref<50xi32, #tpu.memory_space<vmem>>
        %dma_wait3A_501 = arith.constant 0 : i32
        %dma_wait3A_502 = arith.constant 0 : i32
        %dma_wait3A_503 = tpu.memref_slice %arg2[%dma_wait3A_501, %dma_wait3A_502] : memref<1000000x128xf32, #tpu.memory_space<hbm>> -> memref<1000000x128xf32, #tpu.memory_space<hbm>>
        tpu.wait_indirect_dma semaphore(%arg5 : memref<!tpu.dma_semaphore, #tpu.memory_space<semaphore_mem>>) src(%dma_wait3A_503 : memref<1000000x128xf32, #tpu.memory_space<hbm>>) dst(%dma_wait3A_493 : memref<50x128xf32, #tpu.memory_space<vmem>>)
        %dma_wait3A_504 = arith.constant 6 : i32
        %dma_wait3A_505 = arith.constant 6 : i32
        %dma_wait3A_506 = arith.constant 0 : i32
        %dma_wait3A_507 = arith.constant 0 : i32
        %dma_wait3A_508 = arith.constant 0 : i32
        %dma_wait3A_509 = tpu.memref_slice %run_scoped3A_8[%rem3A_209, %dma_wait3A_506, %dma_wait3A_507, %dma_wait3A_508] : memref<2x8x50x128xf32, #tpu.memory_space<vmem>> -> memref<1x8x50x128xf32, #tpu.memory_space<vmem>>
        %dma_wait3A_510 = tpu.memref_squeeze %dma_wait3A_509 : memref<1x8x50x128xf32, #tpu.memory_space<vmem>> -> memref<8x50x128xf32, #tpu.memory_space<vmem>>
        %dma_wait3A_511 = arith.constant 0 : i32
        %dma_wait3A_512 = arith.constant 0 : i32
        %dma_wait3A_513 = tpu.memref_slice %dma_wait3A_510[%dma_wait3A_505, %dma_wait3A_511, %dma_wait3A_512] : memref<8x50x128xf32, #tpu.memory_space<vmem>> -> memref<1x50x128xf32, #tpu.memory_space<vmem>>
        %dma_wait3A_514 = tpu.memref_squeeze %dma_wait3A_513 : memref<1x50x128xf32, #tpu.memory_space<vmem>> -> memref<50x128xf32, #tpu.memory_space<vmem>>
        %dma_wait3A_515 = arith.constant 0 : i32
        %dma_wait3A_516 = arith.constant 0 : i32
        %dma_wait3A_517 = tpu.memref_slice %run_scoped3A[%rem3A_207, %dma_wait3A_515, %dma_wait3A_516] : memref<2x8x50xi32, #tpu.memory_space<vmem>> -> memref<1x8x50xi32, #tpu.memory_space<vmem>>
        %dma_wait3A_518 = tpu.memref_squeeze %dma_wait3A_517 : memref<1x8x50xi32, #tpu.memory_space<vmem>> -> memref<8x50xi32, #tpu.memory_space<vmem>>
        %dma_wait3A_519 = arith.constant 0 : i32
        %dma_wait3A_520 = tpu.memref_slice %dma_wait3A_518[%dma_wait3A_504, %dma_wait3A_519] : memref<8x50xi32, #tpu.memory_space<vmem>> -> memref<1x50xi32, #tpu.memory_space<vmem>>
        %dma_wait3A_521 = tpu.memref_squeeze %dma_wait3A_520 : memref<1x50xi32, #tpu.memory_space<vmem>> -> memref<50xi32, #tpu.memory_space<vmem>>
        %dma_wait3A_522 = arith.constant 0 : i32
        %dma_wait3A_523 = arith.constant 0 : i32
        %dma_wait3A_524 = tpu.memref_slice %arg2[%dma_wait3A_522, %dma_wait3A_523] : memref<1000000x128xf32, #tpu.memory_space<hbm>> -> memref<1000000x128xf32, #tpu.memory_space<hbm>>
        tpu.wait_indirect_dma semaphore(%arg5 : memref<!tpu.dma_semaphore, #tpu.memory_space<semaphore_mem>>) src(%dma_wait3A_524 : memref<1000000x128xf32, #tpu.memory_space<hbm>>) dst(%dma_wait3A_514 : memref<50x128xf32, #tpu.memory_space<vmem>>)
        %dma_wait3A_525 = arith.constant 7 : i32
        %dma_wait3A_526 = arith.constant 7 : i32
        %dma_wait3A_527 = arith.constant 0 : i32
        %dma_wait3A_528 = arith.constant 0 : i32
        %dma_wait3A_529 = arith.constant 0 : i32
        %dma_wait3A_530 = tpu.memref_slice %run_scoped3A_8[%rem3A_209, %dma_wait3A_527, %dma_wait3A_528, %dma_wait3A_529] : memref<2x8x50x128xf32, #tpu.memory_space<vmem>> -> memref<1x8x50x128xf32, #tpu.memory_space<vmem>>
        %dma_wait3A_531 = tpu.memref_squeeze %dma_wait3A_530 : memref<1x8x50x128xf32, #tpu.memory_space<vmem>> -> memref<8x50x128xf32, #tpu.memory_space<vmem>>
        %dma_wait3A_532 = arith.constant 0 : i32
        %dma_wait3A_533 = arith.constant 0 : i32
        %dma_wait3A_534 = tpu.memref_slice %dma_wait3A_531[%dma_wait3A_526, %dma_wait3A_532, %dma_wait3A_533] : memref<8x50x128xf32, #tpu.memory_space<vmem>> -> memref<1x50x128xf32, #tpu.memory_space<vmem>>
        %dma_wait3A_535 = tpu.memref_squeeze %dma_wait3A_534 : memref<1x50x128xf32, #tpu.memory_space<vmem>> -> memref<50x128xf32, #tpu.memory_space<vmem>>
        %dma_wait3A_536 = arith.constant 0 : i32
        %dma_wait3A_537 = arith.constant 0 : i32
        %dma_wait3A_538 = tpu.memref_slice %run_scoped3A[%rem3A_207, %dma_wait3A_536, %dma_wait3A_537] : memref<2x8x50xi32, #tpu.memory_space<vmem>> -> memref<1x8x50xi32, #tpu.memory_space<vmem>>
        %dma_wait3A_539 = tpu.memref_squeeze %dma_wait3A_538 : memref<1x8x50xi32, #tpu.memory_space<vmem>> -> memref<8x50xi32, #tpu.memory_space<vmem>>
        %dma_wait3A_540 = arith.constant 0 : i32
        %dma_wait3A_541 = tpu.memref_slice %dma_wait3A_539[%dma_wait3A_525, %dma_wait3A_540] : memref<8x50xi32, #tpu.memory_space<vmem>> -> memref<1x50xi32, #tpu.memory_space<vmem>>
        %dma_wait3A_542 = tpu.memref_squeeze %dma_wait3A_541 : memref<1x50xi32, #tpu.memory_space<vmem>> -> memref<50xi32, #tpu.memory_space<vmem>>
        %dma_wait3A_543 = arith.constant 0 : i32
        %dma_wait3A_544 = arith.constant 0 : i32
        %dma_wait3A_545 = tpu.memref_slice %arg2[%dma_wait3A_543, %dma_wait3A_544] : memref<1000000x128xf32, #tpu.memory_space<hbm>> -> memref<1000000x128xf32, #tpu.memory_space<hbm>>
        tpu.wait_indirect_dma semaphore(%arg5 : memref<!tpu.dma_semaphore, #tpu.memory_space<semaphore_mem>>) src(%dma_wait3A_545 : memref<1000000x128xf32, #tpu.memory_space<hbm>>) dst(%dma_wait3A_535 : memref<50x128xf32, #tpu.memory_space<vmem>>)
        "tpu.trace_stop"() : () -> ()
        %ne3A_546 = arith.cmpi ne, %add3A_135, %add3A_153 : i32
        %or3A_547 = arith.constant false
        %or3A_548 = arith.ori %or3A_547, %ne3A_546 : i1
        %or3A_549 = arith.constant false
        %or3A_550 = arith.ori %or3A_548, %or3A_549 : i1
        %or3A_551 = arith.ori %or3A_550, %eq3A_134 : i1
        %convert_element_type3A_552 = arith.extui %or3A_551 : i1 to i32
        %cond3A_553 = arith.constant 0 : i32
        %cond3A_554 = arith.cmpi ne, %convert_element_type3A_552, %cond3A_553 : i32
        scf.if %cond3A_554 {
        } else {
        }
        %and3A_555 = arith.constant false
        %and3A_556 = arith.andi %or3A_551, %and3A_555 : i1
        %ne3A_557 = arith.cmpi ne, %add3A_135, %add3A_153 : i32
        %or3A_558 = arith.constant false
        %or3A_559 = arith.ori %or3A_558, %ne3A_557 : i1
        %or3A_560 = arith.constant false
        %or3A_561 = arith.ori %or3A_559, %or3A_560 : i1
        %or3A_562 = arith.constant false
        %or3A_563 = arith.ori %or3A_561, %or3A_562 : i1
        %or3A_564 = arith.ori %or3A_563, %eq3A_134 : i1
        %convert_element_type3A_565 = arith.extui %or3A_564 : i1 to i32
        %cond3A_566 = arith.constant 0 : i32
        %cond3A_567 = arith.cmpi ne, %convert_element_type3A_565, %cond3A_566 : i32
        scf.if %cond3A_567 {
          "tpu.trace_start"() <{level = 10 : i32, message = "ep_copy_out"}> : () -> ()
          %rem3A_621 = arith.constant 2 : i32
          %rem3A_622 = arith.remui %scan3A_128, %rem3A_621 : i32
          %mul3A_623 = arith.constant 8 : i32
          %mul3A_624 = arith.muli %mul3A_623, %add3A_135 : i32
          %dma_start3A_625 = arith.constant 0 : i32
          %dma_start3A_626 = arith.constant 0 : i32
          %dma_start3A_627 = arith.constant 0 : i32
          %dma_start3A_628 = tpu.memref_slice %run_scoped3A_8[%rem3A_622, %dma_start3A_625, %dma_start3A_626, %dma_start3A_627] : memref<2x8x50x128xf32, #tpu.memory_space<vmem>> -> memref<1x8x50x128xf32, #tpu.memory_space<vmem>>
          %dma_start3A_629 = tpu.memref_squeeze %dma_start3A_628 : memref<1x8x50x128xf32, #tpu.memory_space<vmem>> -> memref<8x50x128xf32, #tpu.memory_space<vmem>>
          %dma_start3A_630 = arith.constant 0 : i32
          %dma_start3A_631 = arith.constant 0 : i32
          %dma_start3A_632 = tpu.memref_slice %arg4[%mul3A_624, %dma_start3A_630, %dma_start3A_631] : memref<4096x50x128xf32, #tpu.memory_space<hbm>> -> memref<8x50x128xf32, #tpu.memory_space<hbm>>
          %dma_start3A_633 = tpu.memref_slice %run_scoped3A_9[%rem3A_622] : memref<2x!tpu.dma_semaphore, #tpu.memory_space<semaphore_mem>> -> memref<1x!tpu.dma_semaphore, #tpu.memory_space<semaphore_mem>>
          %dma_start3A_634 = tpu.memref_squeeze %dma_start3A_633 : memref<1x!tpu.dma_semaphore, #tpu.memory_space<semaphore_mem>> -> memref<!tpu.dma_semaphore, #tpu.memory_space<semaphore_mem>>
          %dma_start3A_635 = arith.constant 0 : i32
          %dma_start3A_636 = arith.constant 0 : i32
          %dma_start3A_637 = tpu.memref_slice %arg4[%mul3A_624, %dma_start3A_635, %dma_start3A_636] : memref<4096x50x128xf32, #tpu.memory_space<hbm>> -> memref<8x50x128xf32, #tpu.memory_space<hbm>>
          %dma_start3A_638 = arith.constant 0 : i32
          %dma_start3A_639 = arith.constant 0 : i32
          %dma_start3A_640 = arith.constant 0 : i32
          %dma_start3A_641 = tpu.memref_slice %run_scoped3A_8[%rem3A_622, %dma_start3A_638, %dma_start3A_639, %dma_start3A_640] : memref<2x8x50x128xf32, #tpu.memory_space<vmem>> -> memref<1x8x50x128xf32, #tpu.memory_space<vmem>>
          %dma_start3A_642 = tpu.memref_squeeze %dma_start3A_641 : memref<1x8x50x128xf32, #tpu.memory_space<vmem>> -> memref<8x50x128xf32, #tpu.memory_space<vmem>>
          tpu.enqueue_dma source(%dma_start3A_642 : memref<8x50x128xf32, #tpu.memory_space<vmem>>) target(%dma_start3A_637 : memref<8x50x128xf32, #tpu.memory_space<hbm>>) target_semaphore(%dma_start3A_634 : memref<!tpu.dma_semaphore, #tpu.memory_space<semaphore_mem>>)
          "tpu.trace_stop"() : () -> ()
        } else {
        }
        %and3A_568 = arith.constant true
        %and3A_569 = arith.andi %or3A_564, %and3A_568 : i1
        %add3A_570 = arith.constant 1 : i32
        %add3A_571 = arith.addi %scan3A_128, %add3A_570 : i32
        %select_n3A_572 = arith.select %and3A_569, %add3A_571, %scan3A_128 : i32
        %ne3A_573 = arith.cmpi ne, %add3A_135, %add3A_144 : i32
        %or3A_574 = arith.constant false
        %or3A_575 = arith.ori %or3A_574, %ne3A_573 : i1
        %or3A_576 = arith.constant false
        %or3A_577 = arith.ori %or3A_575, %or3A_576 : i1
        %not3A_578 = arith.constant true
        %not3A_579 = arith.xori %eq3A_132, %not3A_578 : i1
        %and3A_580 = arith.andi %or3A_577, %not3A_579 : i1
        %convert_element_type3A_581 = arith.extui %and3A_580 : i1 to i32
        %cond3A_582 = arith.constant 0 : i32
        %cond3A_583 = arith.cmpi ne, %convert_element_type3A_581, %cond3A_582 : i32
        scf.if %cond3A_583 {
        } else {
        }
        %and3A_584 = arith.constant false
        %and3A_585 = arith.andi %and3A_580, %and3A_584 : i1
        %ne3A_586 = arith.cmpi ne, %add3A_135, %add3A_144 : i32
        %or3A_587 = arith.constant false
        %or3A_588 = arith.ori %or3A_587, %ne3A_586 : i1
        %or3A_589 = arith.constant false
        %or3A_590 = arith.ori %or3A_588, %or3A_589 : i1
        %or3A_591 = arith.constant false
        %or3A_592 = arith.ori %or3A_590, %or3A_591 : i1
        %not3A_593 = arith.constant true
        %not3A_594 = arith.xori %eq3A_132, %not3A_593 : i1
        %and3A_595 = arith.andi %or3A_592, %not3A_594 : i1
        %convert_element_type3A_596 = arith.extui %and3A_595 : i1 to i32
        %cond3A_597 = arith.constant 0 : i32
        %cond3A_598 = arith.cmpi ne, %convert_element_type3A_596, %cond3A_597 : i32
        scf.if %cond3A_598 {
          "tpu.trace_start"() <{level = 10 : i32, message = "ep_wait_out"}> : () -> ()
          %rem3A_621 = arith.constant 2 : i32
          %rem3A_622 = arith.remui %scan3A_129, %rem3A_621 : i32
          %mul3A_623 = arith.constant 8 : i32
          %mul3A_624 = arith.muli %mul3A_623, %add3A_144 : i32
          %dma_wait3A_625 = arith.constant 0 : i32
          %dma_wait3A_626 = arith.constant 0 : i32
          %dma_wait3A_627 = arith.constant 0 : i32
          %dma_wait3A_628 = tpu.memref_slice %run_scoped3A_8[%rem3A_622, %dma_wait3A_625, %dma_wait3A_626, %dma_wait3A_627] : memref<2x8x50x128xf32, #tpu.memory_space<vmem>> -> memref<1x8x50x128xf32, #tpu.memory_space<vmem>>
          %dma_wait3A_629 = tpu.memref_squeeze %dma_wait3A_628 : memref<1x8x50x128xf32, #tpu.memory_space<vmem>> -> memref<8x50x128xf32, #tpu.memory_space<vmem>>
          %dma_wait3A_630 = arith.constant 0 : i32
          %dma_wait3A_631 = arith.constant 0 : i32
          %dma_wait3A_632 = tpu.memref_slice %arg4[%mul3A_624, %dma_wait3A_630, %dma_wait3A_631] : memref<4096x50x128xf32, #tpu.memory_space<hbm>> -> memref<8x50x128xf32, #tpu.memory_space<hbm>>
          %dma_wait3A_633 = tpu.memref_slice %run_scoped3A_9[%rem3A_622] : memref<2x!tpu.dma_semaphore, #tpu.memory_space<semaphore_mem>> -> memref<1x!tpu.dma_semaphore, #tpu.memory_space<semaphore_mem>>
          %dma_wait3A_634 = tpu.memref_squeeze %dma_wait3A_633 : memref<1x!tpu.dma_semaphore, #tpu.memory_space<semaphore_mem>> -> memref<!tpu.dma_semaphore, #tpu.memory_space<semaphore_mem>>
          %dma_wait3A_635 = arith.constant 0 : i32
          %dma_wait3A_636 = arith.constant 0 : i32
          %dma_wait3A_637 = tpu.memref_slice %arg4[%mul3A_624, %dma_wait3A_635, %dma_wait3A_636] : memref<4096x50x128xf32, #tpu.memory_space<hbm>> -> memref<8x50x128xf32, #tpu.memory_space<hbm>>
          %dma_wait3A_638 = arith.constant 0 : i32
          %dma_wait3A_639 = arith.constant 0 : i32
          %dma_wait3A_640 = arith.constant 0 : i32
          %dma_wait3A_641 = tpu.memref_slice %run_scoped3A_8[%rem3A_622, %dma_wait3A_638, %dma_wait3A_639, %dma_wait3A_640] : memref<2x8x50x128xf32, #tpu.memory_space<vmem>> -> memref<1x8x50x128xf32, #tpu.memory_space<vmem>>
          %dma_wait3A_642 = tpu.memref_squeeze %dma_wait3A_641 : memref<1x8x50x128xf32, #tpu.memory_space<vmem>> -> memref<8x50x128xf32, #tpu.memory_space<vmem>>
          tpu.wait_dma2 semaphore(%dma_wait3A_634 : memref<!tpu.dma_semaphore, #tpu.memory_space<semaphore_mem>>) src(%dma_wait3A_642 : memref<8x50x128xf32, #tpu.memory_space<vmem>>) dst(%dma_wait3A_637 : memref<8x50x128xf32, #tpu.memory_space<hbm>>)
          "tpu.trace_stop"() : () -> ()
        } else {
        }
        %and3A_599 = arith.constant true
        %and3A_600 = arith.andi %and3A_595, %and3A_599 : i1
        %add3A_601 = arith.constant 1 : i32
        %add3A_602 = arith.addi %scan3A_129, %add3A_601 : i32
        %select_n3A_603 = arith.select %and3A_600, %add3A_602, %scan3A_129 : i32
        %ne3A_604 = arith.cmpi ne, %add3A_135, %add3A_153 : i32
        %or3A_605 = arith.constant false
        %or3A_606 = arith.ori %or3A_605, %ne3A_604 : i1
        %or3A_607 = arith.constant false
        %or3A_608 = arith.ori %or3A_606, %or3A_607 : i1
        %or3A_609 = arith.ori %or3A_608, %eq3A_134 : i1
        %add3A_610 = arith.constant 1 : i32
        %add3A_611 = arith.addi %scan3A_127, %add3A_610 : i32
        %select_n3A_612 = arith.select %or3A_609, %add3A_611, %scan3A_127 : i32
        %add3A_613 = arith.constant 1 : i32
        %add3A_614 = arith.addi %scan3A_130, %add3A_613 : i32
        %select_n3A_615 = arith.constant true
        %select_n3A_616 = arith.select %select_n3A_615, %add3A_614, %scan3A_130 : i32
        %eq3A_617 = arith.constant 16 : i32
        %eq3A_618 = arith.cmpi eq, %select_n3A_616, %eq3A_617 : i32
        %select_n3A_619 = arith.constant 0 : i32
        %select_n3A_620 = arith.select %eq3A_618, %select_n3A_619, %select_n3A_616 : i32
        scf.yield %select_n3A_173, %select_n3A_612, %select_n3A_572, %select_n3A_603, %select_n3A_620 : i32, i32, i32, i32, i32
      }
      %scan3A_68 = arith.constant 16 : i32
      %sub3A = arith.constant 1 : i32
      %sub3A_69 = arith.subi %scan3A_67#4, %sub3A : i32
      %select_n3A_70 = arith.constant true
      %select_n3A_71 = arith.select %select_n3A_70, %sub3A_69, %scan3A_67#4 : i32
      %eq3A_72 = arith.constant -1 : i32
      %eq3A_73 = arith.cmpi eq, %select_n3A_71, %eq3A_72 : i32
      %select_n3A_74 = arith.constant 15 : i32
      %select_n3A_75 = arith.select %eq3A_73, %select_n3A_74, %select_n3A_71 : i32
      %add3A_76 = arith.addi %select_n3A_75, %mul3A_6 : i32
      %sub3A_77 = arith.constant 1 : i32
      %sub3A_78 = arith.subi %select_n3A_75, %sub3A_77 : i32
      %select_n3A_79 = arith.constant true
      %select_n3A_80 = arith.select %select_n3A_79, %sub3A_78, %select_n3A_75 : i32
      %eq3A_81 = arith.constant -1 : i32
      %eq3A_82 = arith.cmpi eq, %select_n3A_80, %eq3A_81 : i32
      %select_n3A_83 = arith.constant 15 : i32
      %select_n3A_84 = arith.select %eq3A_82, %select_n3A_83, %select_n3A_80 : i32
      %add3A_85 = arith.addi %select_n3A_84, %mul3A_6 : i32
      %add3A_86 = arith.constant 1 : i32
      %add3A_87 = arith.addi %select_n3A_75, %add3A_86 : i32
      %select_n3A_88 = arith.constant true
      %select_n3A_89 = arith.select %select_n3A_88, %add3A_87, %select_n3A_75 : i32
      %eq3A_90 = arith.constant 16 : i32
      %eq3A_91 = arith.cmpi eq, %select_n3A_89, %eq3A_90 : i32
      %select_n3A_92 = arith.constant 0 : i32
      %select_n3A_93 = arith.select %eq3A_91, %select_n3A_92, %select_n3A_89 : i32
      %add3A_94 = arith.addi %select_n3A_93, %mul3A_6 : i32
      %add3A_95 = arith.constant 1 : i32
      %add3A_96 = arith.addi %select_n3A_93, %add3A_95 : i32
      %select_n3A_97 = arith.constant true
      %select_n3A_98 = arith.select %select_n3A_97, %add3A_96, %select_n3A_93 : i32
      %eq3A_99 = arith.constant 16 : i32
      %eq3A_100 = arith.cmpi eq, %select_n3A_98, %eq3A_99 : i32
      %select_n3A_101 = arith.constant 0 : i32
      %select_n3A_102 = arith.select %eq3A_100, %select_n3A_101, %select_n3A_98 : i32
      %add3A_103 = arith.addi %select_n3A_102, %mul3A_6 : i32
      "tpu.trace_start"() <{level = 10 : i32, message = "ep_finalize"}> : () -> ()
      %rem3A_104 = arith.constant 2 : i32
      %rem3A_105 = arith.remui %scan3A_67#3, %rem3A_104 : i32
      %mul3A_106 = arith.constant 8 : i32
      %mul3A_107 = arith.muli %mul3A_106, %add3A_76 : i32
      %dma_wait3A = arith.constant 0 : i32
      %dma_wait3A_108 = arith.constant 0 : i32
      %dma_wait3A_109 = arith.constant 0 : i32
      %dma_wait3A_110 = tpu.memref_slice %run_scoped3A_8[%rem3A_105, %dma_wait3A, %dma_wait3A_108, %dma_wait3A_109] : memref<2x8x50x128xf32, #tpu.memory_space<vmem>> -> memref<1x8x50x128xf32, #tpu.memory_space<vmem>>
      %dma_wait3A_111 = tpu.memref_squeeze %dma_wait3A_110 : memref<1x8x50x128xf32, #tpu.memory_space<vmem>> -> memref<8x50x128xf32, #tpu.memory_space<vmem>>
      %dma_wait3A_112 = arith.constant 0 : i32
      %dma_wait3A_113 = arith.constant 0 : i32
      %dma_wait3A_114 = tpu.memref_slice %arg4[%mul3A_107, %dma_wait3A_112, %dma_wait3A_113] : memref<4096x50x128xf32, #tpu.memory_space<hbm>> -> memref<8x50x128xf32, #tpu.memory_space<hbm>>
      %dma_wait3A_115 = tpu.memref_slice %run_scoped3A_9[%rem3A_105] : memref<2x!tpu.dma_semaphore, #tpu.memory_space<semaphore_mem>> -> memref<1x!tpu.dma_semaphore, #tpu.memory_space<semaphore_mem>>
      %dma_wait3A_116 = tpu.memref_squeeze %dma_wait3A_115 : memref<1x!tpu.dma_semaphore, #tpu.memory_space<semaphore_mem>> -> memref<!tpu.dma_semaphore, #tpu.memory_space<semaphore_mem>>
      %dma_wait3A_117 = arith.constant 0 : i32
      %dma_wait3A_118 = arith.constant 0 : i32
      %dma_wait3A_119 = tpu.memref_slice %arg4[%mul3A_107, %dma_wait3A_117, %dma_wait3A_118] : memref<4096x50x128xf32, #tpu.memory_space<hbm>> -> memref<8x50x128xf32, #tpu.memory_space<hbm>>
      %dma_wait3A_120 = arith.constant 0 : i32
      %dma_wait3A_121 = arith.constant 0 : i32
      %dma_wait3A_122 = arith.constant 0 : i32
      %dma_wait3A_123 = tpu.memref_slice %run_scoped3A_8[%rem3A_105, %dma_wait3A_120, %dma_wait3A_121, %dma_wait3A_122] : memref<2x8x50x128xf32, #tpu.memory_space<vmem>> -> memref<1x8x50x128xf32, #tpu.memory_space<vmem>>
      %dma_wait3A_124 = tpu.memref_squeeze %dma_wait3A_123 : memref<1x8x50x128xf32, #tpu.memory_space<vmem>> -> memref<8x50x128xf32, #tpu.memory_space<vmem>>
      tpu.wait_dma2 semaphore(%dma_wait3A_116 : memref<!tpu.dma_semaphore, #tpu.memory_space<semaphore_mem>>) src(%dma_wait3A_124 : memref<8x50x128xf32, #tpu.memory_space<vmem>>) dst(%dma_wait3A_119 : memref<8x50x128xf32, #tpu.memory_space<hbm>>)
      "tpu.trace_stop"() : () -> ()
      tpu.yield
    }) : () -> ()
    return
  }
}

</mosaic_0001>

<sc_bundles>
// kernel: kernel.3.cloned.1.call-start
scs
__scs_entry_jumppad:
0x0: {  	(pc) =	sbr.rel $0x88, $3  }
0x1: {  	(tag) =	ssettag $0x0;
	lr =	simm.s32 $0x1  }
0x2: {  	[smem:$0x3F9F] =	sst lr;
	_ =	strace $0xD0000000  }
0x3: {  	_ = 	snop  }
0x4: {  	_ = 	snop  }
0x5: {  	_ = 	snop  }
0x6: {  	_ = 	snop  }
0x7: {  	_ = 	snop  }
__scs_overlays_trampoline_lowered:
0x8: {  	[smem:$0x3FAE] =	sst s0  }
0x9: {  	[smem:$0x3FAF] =	sst s1  }
0xa: {  	[smem:$0x3FB0] =	sst s2  }
0xb: {  	[smem:$0x3FB1] =	sst s3  }
0xc: {  	[smem:$0x3FB2] =	sst s4  }
0xd: {  	[smem:$0x3FB3] =	sst s5  }
0xe: {  	[smem:$0x3FB4] =	sst s6  }
0xf: {  	[smem:$0x3FB5] =	sst s7  }
0x10: {  	[smem:$0x3FB6] =	sst s8  }
0x11: {  	[smem:$0x3FB7] =	sst s9;
	s0 =	simm.s32 @!p0 $0x0  }
0x12: {  	s1 =	sld [smem:$0x3F9D];
	s0 =	simm.s32 @p0 $0x1  }
0x13: {  	[smem:$0x3FB8] =	sst s0;
	s0 =	simm.s32 @!p1 $0x0  }
0x14: {  	s2 =	sld [smem:$0x3F9C];
	s0 =	simm.s32 @p1 $0x1  }
0x15: {  	[smem:$0x3FB9] =	sst s0;
	s0 =	simm.s32 @!p2 $0x0  }
0x16: {  	s3 =	sld [smem:$0x3FDB];
	s0 =	simm.s32 @p2 $0x1  }
0x17: {  	s4 =	simm.s32 $0x1BF5;
	[smem:$0x3FBB] =	sst s0  }
0x18: {  	s0 =	sld [smem:$0x3F9E];
	_ =	swait.ge [sflag:s4], $0x0  }
0x19: {  	s7 =	sld [smem:$0x3F9F]  }
0x1a: {  	s8 =	sadd.s32 $0xFFFFE003, lr  }
0x1b: {  	s9 =	sadd.s32 $0xFFFFFEF7, lr;
	s5 =	simm.s32 $0xFFFFFFFF;
	p2 =	slt.u32 s8, $0xFFFFF086  }
0x1c: {  	p1 =	slt.u32 s9, $0xF7A;
	s5 =	simm.s32 @!p2 $0x0  }
0x1d: {  	s5 =	simm.s32 @p1 $0x1;
	p0 =	seq.s32 s7, s2  }
0x1e: {  	s7 =	smul.u32 @!p0 $0xF7A, s2;
	p2 =	seq.s32 @!p0 s5, $0x0  }
0x1f: {  	s9 =	smul.u32 $0xF7A, s1;
	s8 =	simm.s32 @!p0 $0x1BF5;
	p2 =	por !p2, p0  }
0x20: {  	[sflag:s8] =	ssyncset.s32 @!p0 $0xFFFFF086;
	s6 =	sadd.s32 @!p0 s3, s7;
	s7 =	simm.s32 @!p0 $0x108  }
0x21: {  	s3 =	sadd.s32 s3, s9;
	s6 =	sadd.s32 @!p0 $0x88, s6;
	s7 =	simm.s32 @p2 $0x1082  }
0x22: {  	[simem:s7], [sflag:s8] =	dma.local @!p0 [hbm:s6], $0xF7A  }
0x23: {  	s9 =	sor.u32 $0xD0000000, s2;
	s6 =	simm.s32 $0x108;
	_ =	swait.ge @!p0 [sflag:s8], $0x0  }
0x24: {  	s3 =	sadd.s32 $0x88, s3;
	s6 =	simm.s32 @!p1 $0x1082;
	[sflag:s4] =	ssyncset.s32 $0xFFFFF086  }
0x25: {  	[simem:s6], [sflag:s4] =	dma.local [hbm:s3], $0xF7A  }
0x26: {  	[smem:$0x3F9F] =	sst s1;
	(tag) =	ssettag s2;
	_ =	strace s9  }
0x27: {  	s1 =	sld [smem:$0x3FAF]  }
0x28: {  	s2 =	sld [smem:$0x3FB0]  }
0x29: {  	s4 =	sld [smem:$0x3FB2]  }
0x2a: {  	p0 =	seq.s32 s5, $0x0;
	s5 =	sld [smem:$0x3FB3]  }
0x2b: {  	s6 =	sld [smem:$0x3FB4]  }
0x2c: {  	s7 =	sld [smem:$0x3FB5]  }
0x2d: {  	s3 =	simm.s32 $0x108;
	s8 =	sld [smem:$0x3FB6]  }
0x2e: {  	s3 =	simm.s32 @!p0 $0x1082;
	s9 =	sld [smem:$0x3FB7]  }
0x2f: {  	lr =	sadd.s32 s0, s3;
	s0 =	sld [smem:$0x3FAE]  }
0x30: {  	s3 =	sld [smem:$0x3FB1]  }
0x31: {  	[smem:$0x3FBA] =	sst s10  }
0x32: {  	s10 =	sld [smem:$0x3FB8];
	_ =	sdelay $0x3  }
0x33: {  	p0 =	seq.s32 s10, $0x1;
	s10 =	sld [smem:$0x3FBA];
	_ =	sdelay $0x3  }
0x34: {  	[smem:$0x3FBA] =	sst s10  }
0x35: {  	s10 =	sld [smem:$0x3FB9];
	_ =	sdelay $0x3  }
0x36: {  	p1 =	seq.s32 s10, $0x1;
	s10 =	sld [smem:$0x3FBA];
	_ =	sdelay $0x3  }
0x37: {  	[smem:$0x3FBA] =	sst s10  }
0x38: {  	s10 =	sld [smem:$0x3FBB]  }
0x39: {  	_ = 	snop;
	(pc) =	sbr.ind lr, $3  }
0x3a: {  	_ = 	snop  }
0x3b: {  	_ = 	snop  }
0x3c: {  	p2 =	seq.s32 s10, $0x1;
	s10 =	sld [smem:$0x3FBA]  }
0x3d: {  	_ =	shalt  }
0x3e: {  	_ =	shalt  }
0x3f: {  	_ =	shalt  }
0x40: {  	_ =	shalt  }
0x41: {  	_ =	shalt  }
0x42: {  	_ =	shalt  }
0x43: {  	_ =	shalt  }
0x44: {  	_ =	shalt  }
0x45: {  	_ =	shalt  }
0x46: {  	_ =	shalt  }
0x47: {  	_ =	shalt  }
0x48: {  	_ =	shalt  }
0x49: {  	_ =	shalt  }
0x4a: {  	_ =	shalt  }
0x4b: {  	_ =	shalt  }
0x4c: {  	_ =	shalt  }
0x4d: {  	_ =	shalt  }
0x4e: {  	_ =	shalt  }
0x4f: {  	_ =	shalt  }
0x50: {  	_ =	shalt  }
0x51: {  	_ =	shalt  }
0x52: {  	_ =	shalt  }
0x53: {  	_ =	shalt  }
0x54: {  	_ =	shalt  }
0x55: {  	_ =	shalt  }
0x56: {  	_ =	shalt  }
0x57: {  	_ =	shalt  }
0x58: {  	_ =	shalt  }
0x59: {  	_ =	shalt  }
0x5a: {  	_ =	shalt  }
0x5b: {  	_ =	shalt  }
0x5c: {  	_ =	shalt  }
0x5d: {  	_ =	shalt  }
0x5e: {  	_ =	shalt  }
0x5f: {  	_ =	shalt  }
0x60: {  	_ =	shalt  }
0x61: {  	_ =	shalt  }
0x62: {  	_ =	shalt  }
0x63: {  	_ =	shalt  }
0x64: {  	_ =	shalt  }
0x65: {  	_ =	shalt  }
0x66: {  	_ =	shalt  }
0x67: {  	_ =	shalt  }
0x68: {  	_ =	shalt  }
0x69: {  	_ =	shalt  }
0x6a: {  	_ =	shalt  }
0x6b: {  	_ =	shalt  }
0x6c: {  	_ =	shalt  }
0x6d: {  	_ =	shalt  }
0x6e: {  	_ =	shalt  }
0x6f: {  	_ =	shalt  }
0x70: {  	_ =	shalt  }
0x71: {  	_ =	shalt  }
0x72: {  	_ =	shalt  }
0x73: {  	_ =	shalt  }
0x74: {  	_ =	shalt  }
0x75: {  	_ =	shalt  }
0x76: {  	_ =	shalt  }
0x77: {  	_ =	shalt  }
0x78: {  	_ =	shalt  }
0x79: {  	_ =	shalt  }
0x7a: {  	_ =	shalt  }
0x7b: {  	_ =	shalt  }
0x7c: {  	_ =	shalt  }
0x7d: {  	_ =	shalt  }
0x7e: {  	_ =	shalt  }
0x7f: {  	_ =	shalt  }
0x80: {  	_ =	shalt  }
0x81: {  	_ =	shalt  }
0x82: {  	_ =	shalt  }
0x83: {  	_ =	shalt  }
0x84: {  	_ =	shalt  }
0x85: {  	_ =	shalt  }
0x86: {  	_ =	shalt  }
0x87: {  	_ =	shalt  }
.Lfunc_end0:
.L_simem_size_0:
called_computation.1_lowered:
.L_overlay_start_0:
0x88: {  	s2 =	sld [smem:$0x3FD9]  }
0x89: {  	s3 =	sld [smem:$0x3FFE];
	_ =	sdelay $0x1  }
0x8a: {  	s1 =	srdreg.scid  }
0x8b: {  	s0 =	sand.u32 $0x1, s1  }
0x8c: {  	s14 =	sshll.u32 s0, $0xA;
	s2 =	sadd.s32 s3, s2  }
0x8d: {  	s2 =	sadd.s32 s2, s14  }
0x8e: {  	[smem:$0x3FC6] =	sst s2  }
0x8f: {  	_ = 	snop  }
0x90: {  	s2 =	sld [smem:$0x3FD0];
	_ =	sdelay $0x2  }
0x91: {  	s15 =	simm.s32 $0xA;
	s4 =	simm.s32 $0x10  }
0x92: {  	[smem:s4], [sflag:s15] =	dma.local [hbm:s2], $0x1  }
0x93: {  	_ =	swait.eq [sflag:s15], $0x1  }
0x94: {  	[sflag:s15] =	ssyncset.done $0x0  }
0x95: {  	[sflag:s15] =	ssyncadd.s32 $0xFFFFFFFF  }
0x96: {  	s16 =	sld [smem:$0x11];
	(tm) =	ssettm $0x1  }
0x97: {  	s17 =	sld [smem:$0x3FFB];
	_ =	sdelay $0x3  }
0x98: {  	_ =	strace s17  }
0x99: {  	s3 =	sld [smem:$0x3FFC];
	_ =	sdelay $0x3  }
0x9a: {  	_ =	strace s3  }
0x9b: {  	s3 =	sld [smem:$0x3FFD];
	_ =	sdelay $0x3  }
0x9c: {  	_ =	strace s3  }
0x9d: {  	_ =	strace $0x8FFFFFFF  }
0x9e: {  	s18 =	sld [smem:$0x3FDB];
	_ =	sdelay $0x1  }
0x9f: {  	s19 =	simm.s32 $_scs_section_size  }
0xa0: {  	s5 =	simm.s32 $_size__tile_overlayer_lowered;
	s6 =	simm.s32 $_tile_overlayer_lowered  }
0xa1: {  	s22 =	simm.s32 $0x1BFF;
	s21 =	sshll.u32 s6, $0x1;
	s3 =	sadd.s32 s19, s18  }
0xa2: {  	s7 =	simm.s32 $0x0;
	s20 =	sshll.u32 s5, $0x1;
	s5 =	sadd.s32 s21, s3  }
0xa3: {  	[timem:s7], [sflag:s22] =	dma.local [hbm:s5], s20  }
0xa4: {  	_ =	swait.ge [sflag:s22], s20  }
0xa5: {  	s4 =	ssub.s32 $0x0, s20;
	[sflag:s22] =	ssyncset.done $0x0  }
0xa6: {  	[sflag:s22] =	ssyncadd.s32 s4;
	_ =	sdelay $0x1  }
0xa7: {  	s23 =	simm.s32 $0x1B8B  }
0xa8: {  	_ =	swait.ge [sflag:s23], $0x1  }
0xa9: {  	[sflag:s23] =	ssyncset.done $0x0  }
0xaa: {  	s25 =	simm.s32 $0x1B8E;
	s24 =	sld [smem:$0x3FFE];
	[sflag:s23] =	ssyncadd.s32 $0xFFFFFFFF  }
0xab: {  	s26 =	simm.s32 $execute0_lowered;
	[smem:$0x3FD2] =	sst s25  }
0xac: {  	s5 =	sshll.u32 s26, $0x1;
	_ =	strace $0x80000046;
	[dreg:$0x1] =	wrdreg $0xFFFFFFFF  }
0xad: {  	s28 =	simm.s32 $_size_execute0_lowered;
	s3 =	sadd.s32 s3, s5;
	[dreg:$0x0] =	wrdreg $0x0  }
0xae: {  	s5 =	sshll.u32 s28, $0x1;
	[dreg:$0x2] =	wrdreg s3  }
0xaf: {  	[dreg:$0x3] =	wrdreg s5  }
0xb0: {  	[dreg:$0x4] =	wrdreg $0xC0  }
0xb1: {  	_ =	task [dreg:s7], $0x5FFFF  }
0xb2: {  	[dreg:$0x1] =	wrdreg $0xFFFFFFFF  }
0xb3: {  	[dreg:$0x0] =	wrdreg $0x60  }
0xb4: {  	[dreg:$0x2] =	wrdreg s24  }
0xb5: {  	[dreg:$0x3] =	wrdreg s16  }
0xb6: {  	[dreg:$0x4] =	wrdreg $0x9  }
0xb7: {  	_ =	task.clear_ibuf [dreg:s7], $0x5FFFF;
	_ =	strace $0x90000046  }
0xb8: {  	s29 =	simm.s32 $0x9;
	_ =	strace $0x8000004F  }
0xb9: {  	_ =	swait.ge [sflag:s29], $0x1  }
0xba: {  	[sflag:s29] =	ssyncadd.s32 $0xFFFFFFFF  }
0xbb: {  	_ =	strace $0x9000004F  }
0xbc: {  	_ =	sfence  }
0xbd: {  	s30 =	sld [smem:$0x0];
	_ =	sdelay $0x2  }
0xbe: {  	s31 =	sshll.u32 s1, $0xD;
	s1 =	sshrl.u32 s1, $0x2  }
0xbf: {  	s3 =	sand.u32 $0x4000, s31;
	s1 =	sadd.s32 s1, s30  }
0xc0: {  	s0 =	sor.u32 s3, s0;
	s1 =	sshll.u32 s1, $0x11  }
0xc1: {  	s0 =	sor.u32 s1, s0  }
0xc2: {  	s0 =	sadd.s32 $0x8F2B, s0  }
0xc3: {  	[sflag:s0] =	ssyncadd.remote.s32 $0x1  }
0xc4: {  	_ =	sfence.sel $0xFFFF  }
0xc5: {  	[dreg:$0x0] =	wrdreg $0xFFFFFFFF;
	(pc) =	sbr.abs _section_cstart, $3  }
0xc6: {  	[dreg:$0x1] =	wrdreg $0xFFFFFFFF  }
0xc7: {  	_ =	task.clear_ibuf [dreg:s7], $0x2FFFF;
	_ =	strace $0x9FFFFFFF  }
0xc8: {  	(tm) =	ssettm $0x7FFFFFFF  }
0xc9: {  	_ =	shalt  }
tec
execute0_lowered:
.L_overlay_start_1:
0x0: {  	(tag) =	ssettag $0x1  }
0x1: {  	s4 =	rddreg [dreg:$0x0]  }
0x2: {  	s1 =	rddreg [dreg:$0x1]  }
0x3: {  	s2 =	srdreg.scid;
	s3 =	simm.s32 $0x0;
	s31 =	simm.s32 $0x1C0  }
0x4: {  	s10 =	simm.s32 $0x5;
	s11 =	simm.s32 $0x0;
	s5 =	sand.u32 $0x1, s2  }
0x5: {  	[smem:$0x7FF] =	sst s3;
	s2 =	stileid.u32;
	s7 =	sadd.s32 $0xA00, s4  }
0x6: {  	s4 =	sadd.s32 $0xF42E00, s4;
	s6 =	sshll.u32 s5, $0x4;
	_ =	strace $0x80000047  }
0x7: {  	s5 =	ssub.s32 $0x2, s5;
	[dreg:$0x4] =	wrdreg s7;
	s6 =	sor.u32 s2, s6  }
0x8: {  	[dreg:$0x3] =	wrdreg s31;
	s8 =	sshrl.u32 s5, $0x1;
	s9 =	smul.u32 $0x380, s6  }
0x9: {  	s30 =	ssub.s32 s5, s8;
	s5 =	sshll.u32 s6, $0x4;
	s8 =	simm.s32 $0x1  }
0xa: {  	s7 =	smax.u32 s30, $0x1;
	s6 =	sadd.s32 s1, s9;
	s9 =	simm.s32 $0x32  }
.LBB2_1:
0xb: {  	_ =	strace $0x80000048;
	s12 =	simm.s32 $0x1;
	p0 =	por $0x0, $0x0  }
0xc: {  	[tilespmem:s3], [sflag:$0x2] =	stream.linear.gather [hbm4b:s6+s3], $0x1C0, $0x200038;
	[tilespmem:$0x19380] =	vst v63  }
0xd: {  	s12 =	simm.s32 @p0 $0x0  }
0xe: {  	p1 =	por $0x1, $0x1;
	p0 =	sne.s32 s12, $0x0  }
0xf: {  	p1 =	por !p1, !p0  }
0x10: {  	p1 =	por !p1, !p1  }
0x11: {  	s13 =	sadd.s32 @p1 s5, s12  }
0x12: {  	s14 =	sand.u32 @p1 $0x1, s8;
	s13 =	smul.u32 @p1 $0x1C0, s13  }
0x13: {  	_ =	strace $0x90000048;
	s15 =	smul.u32 @p1 $0x700, s14  }
0x14: {  	s16 =	simm.s32 @p1 $0x0;
	_ =	strace @p1 $0x80000049;
	s13 =	sshrl.u32 @p1 s13, $0x3  }
0x15: {  	s14 =	sor.u32 @p1 $0x2, s14;
	s15 =	sshrl.u32 @p1 s15, $0x2;
	s13 =	sadd.s32 @p1 s1, s13  }
0x16: {  	[tilespmem:s15], [sflag:s14] =	stream.linear.gather @p1 [hbm4b:s13+s16], $0x1C0, $0x200038;
	[tilespmem:$0x19380] =	vst v63  }
0x17: {  	s15 =	sand.u32 $0x1, s3;
	_ =	strace @p1 $0x90000049  }
0x18: {  	s26 =	sor.u32 $0x2, s15;
	_ =	strace $0x8000004A  }
0x19: {  	_ =	swait.ge [sflag:s26], $0x1C0  }
0x1a: {  	[sflag:s26] =	ssyncset.done $0x0  }
0x1b: {  	[sflag:s26] =	ssyncadd.s32 $0xFFFFFE40  }
0x1c: {  	s31 =	smul.u32 $0x32000, s15;
	_ =	strace $0x9000004A  }
0x1d: {  	_ =	strace $0x8000004B  }
0x1e: {  	p2 =	seq.s32 s15, $0x1;
	s13 =	sshrl.u32 s31, $0x2;
	s14 =	rddreg [dreg:$0x3]  }
0x1f: {  	s18 =	sor.u32 $0x380, s13;
	s14 =	simm.s32 @!p2 $0x0  }
0x20: {  	[tilespmem:s18], [sflag:$0x1] =	stream.indirect.gather [hbm4b:s4+s9], $0x80, s14, s9, $0x2000b8;
	[tilespmem:$0x19380] =	vst v63  }
0x21: {  	s0 =	sadd.s32 $0x1C80, s13;
	s17 =	sor.u32 $0x38, s14  }
0x22: {  	[tilespmem:s0], [sflag:$0x1] =	stream.indirect.gather [hbm4b:s4+s9], $0x80, s17, s9, $0x2000b8;
	[tilespmem:$0x19380] =	vst v63  }
0x23: {  	s19 =	sadd.s32 $0x70, s14;
	s17 =	sadd.s32 $0x3580, s13  }
0x24: {  	[tilespmem:s17], [sflag:$0x1] =	stream.indirect.gather [hbm4b:s4+s9], $0x80, s19, s9, $0x2000b8;
	[tilespmem:$0x19380] =	vst v63  }
0x25: {  	s20 =	sadd.s32 $0x4E80, s13;
	s21 =	sadd.s32 $0xA8, s14  }
0x26: {  	[tilespmem:s20], [sflag:$0x1] =	stream.indirect.gather [hbm4b:s4+s9], $0x80, s21, s9, $0x2000b8;
	[tilespmem:$0x19380] =	vst v63  }
0x27: {  	s22 =	sadd.s32 $0x6780, s13;
	s23 =	sadd.s32 $0xE0, s14  }
0x28: {  	[tilespmem:s22], [sflag:$0x1] =	stream.indirect.gather [hbm4b:s4+s9], $0x80, s23, s9, $0x2000b8;
	[tilespmem:$0x19380] =	vst v63  }
0x29: {  	s24 =	sadd.s32 $0x8080, s13;
	s25 =	sadd.s32 $0x118, s14  }
0x2a: {  	[tilespmem:s24], [sflag:$0x1] =	stream.indirect.gather [hbm4b:s4+s9], $0x80, s25, s9, $0x2000b8;
	[tilespmem:$0x19380] =	vst v63  }
0x2b: {  	s26 =	sadd.s32 $0x9980, s13;
	s31 =	sadd.s32 $0x150, s14  }
0x2c: {  	[tilespmem:s26], [sflag:$0x1] =	stream.indirect.gather [hbm4b:s4+s9], $0x80, s31, s9, $0x2000b8;
	[tilespmem:$0x19380] =	vst v63  }
0x2d: {  	s14 =	sadd.s32 $0x188, s14;
	s13 =	sadd.s32 $0xB280, s13  }
0x2e: {  	[tilespmem:s13], [sflag:$0x1] =	stream.indirect.gather [hbm4b:s4+s9], $0x80, s14, s9, $0x2000b8;
	[tilespmem:$0x19380] =	vst v63  }
0x2f: {  	_ =	swait.ge [sflag:s8], $0x1900  }
0x30: {  	[sflag:s8] =	ssyncset.done $0x0  }
0x31: {  	[sflag:s8] =	ssyncadd.s32 $0xFFFFE700  }
0x32: {  	_ =	swait.ge [sflag:s8], $0x1900  }
0x33: {  	[sflag:s8] =	ssyncset.done $0x0  }
0x34: {  	[sflag:s8] =	ssyncadd.s32 $0xFFFFE700  }
0x35: {  	_ =	swait.ge [sflag:s8], $0x1900  }
0x36: {  	[sflag:s8] =	ssyncset.done $0x0  }
0x37: {  	[sflag:s8] =	ssyncadd.s32 $0xFFFFE700  }
0x38: {  	_ =	swait.ge [sflag:s8], $0x1900  }
0x39: {  	p3 =	por $0x1, $0x1;
	p4 =	por $0x0, $0x0;
	[sflag:s8] =	ssyncset.done $0x0  }
0x3a: {  	p6 =	por $0x1, $0x1;
	s29 =	simm.s32 $0x1;
	[sflag:s8] =	ssyncadd.s32 $0xFFFFE700  }
0x3b: {  	p2 =	por $0x0, $0x0;
	s20 =	sadd.s32 $0x1, s12;
	_ =	swait.ge [sflag:s8], $0x1900  }
0x3c: {  	s17 =	simm.s32 $0xE;
	p5 =	seq.s32 s20, $0x10;
	[sflag:s8] =	ssyncset.done $0x0  }
0x3d: {  	s19 =	sadd.s32 $0x0, s5;
	s20 =	simm.s32 @p5 $0x0;
	[sflag:s8] =	ssyncadd.s32 $0xFFFFE700  }
0x3e: {  	s13 =	simm.s32 $0xF;
	s14 =	simm.s32 $0x1;
	_ =	swait.ge [sflag:s8], $0x1900  }
0x3f: {  	s14 =	simm.s32 @!p1 $0x0;
	p1 =	por p0, p0;
	[sflag:s8] =	ssyncset.done $0x0  }
0x40: {  	p0 =	por p3, p3;
	s16 =	sadd.s32 $0x1, s14;
	[sflag:s8] =	ssyncadd.s32 $0xFFFFE700  }
0x41: {  	s14 =	sand.u32 @!p3 $0x1, s3;
	p3 =	por $0x0, $0x0;
	_ =	swait.ge [sflag:s8], $0x1900  }
0x42: {  	s25 =	sor.u32 @!p0 $0x4, s14;
	s14 =	simm.s32 $0x1;
	[sflag:s8] =	ssyncset.done $0x0  }
0x43: {  	s14 =	simm.s32 @!p4 $0x0;
	p4 =	sne.s32 s12, s20;
	[sflag:s8] =	ssyncadd.s32 $0xFFFFE700  }
0x44: {  	s14 =	sadd.s32 $0x0, s14;
	p5 =	por !p6, !p4;
	_ =	swait.ge [sflag:s8], $0x1900  }
0x45: {  	p6 =	por p3, p1;
	p5 =	por !p5, !p5;
	[sflag:s8] =	ssyncset.done $0x0  }
0x46: {  	s24 =	simm.s32 @p6 $0x0;
	s22 =	smul.u32 @p6 $0xC800, s19;
	[sflag:s8] =	ssyncadd.s32 $0xFFFFE700  }
0x47: {  	s19 =	simm.s32 $0x0;
	s21 =	sadd.s32 @p5 s5, s20;
	_ =	strace $0x9000004B  }
0x48: {  	s29 =	simm.s32 @!p5 $0x0;
	s26 =	sand.u32 @p5 $0x1, s16;
	_ =	strace @p6 $0x8000004C  }
0x49: {  	s28 =	smul.u32 @p5 $0x1C0, s21;
	s21 =	simm.s32 $0x0;
	s30 =	rddreg [dreg:$0x4]  }
.LBB2_2:
0x4a: {  	p1 =	por p4, p4  }
0x4b: {  	s23 =	smov.u32 s12;
	s12 =	simm.s32 @!p1 $0x0  }
0x4c: {  	s0 =	sshrl.u32 @p6 s22, $0x3;
	s12 =	simm.s32 @p1 $0x1  }
0x4d: {  	s15 =	sor.u32 @p6 $0x4, s15;
	s0 =	sadd.s32 @p6 s30, s0;
	[smem:$0x7FD] =	sst s12  }
0x4e: {  	[hbm4b:s0+s24] =	stream.linear.scatter @p6 [tilespmem:s18], [sflag:s15], $0xC800, $0x200038;
	[tilespmem:$0x19380] =	vst v63  }
0x4f: {  	_ =	strace @p6 $0x9000004C  }
0x50: {  	s31 =	smul.u32 @p5 $0x700, s26;
	_ =	strace @!p0 $0x8000004D  }
0x51: {  	s16 =	sadd.s32 s29, s16;
	_ =	swait.ge @!p0 [sflag:s25], $0xC800  }
0x52: {  	s29 =	sshrl.u32 @p5 s31, $0x2;
	s12 =	sshrl.u32 @p5 s28, $0x3;
	[sflag:s25] =	ssyncset.done @!p0 $0x0  }
0x53: {  	s28 =	simm.s32 $0x1;
	s15 =	sor.u32 @p5 $0x2, s26;
	[sflag:s25] =	ssyncadd.s32 @!p0 $0xFFFF3800  }
0x54: {  	s18 =	simm.s32 @p5 $0x0;
	s28 =	simm.s32 @!p6 $0x0;
	_ =	strace @!p0 $0x9000004D  }
0x55: {  	s31 =	sadd.s32 @p5 s1, s12;
	s21 =	sadd.s32 s28, s21;
	_ =	strace @p5 $0x80000049  }
0x56: {  	[tilespmem:s29], [sflag:s15] =	stream.linear.gather @p5 [hbm4b:s31+s18], $0x1C0, $0x200038;
	[tilespmem:$0x19380] =	vst v63  }
0x57: {  	s0 =	sand.u32 $0x1, s21;
	_ =	strace @p5 $0x90000049  }
0x58: {  	s25 =	sor.u32 $0x2, s0;
	_ =	strace $0x8000004A  }
0x59: {  	_ =	swait.ge [sflag:s25], $0x1C0  }
0x5a: {  	s19 =	sadd.s32 s28, s19;
	[sflag:s25] =	ssyncset.done $0x0  }
0x5b: {  	s15 =	sand.u32 $0x1, s19;
	[sflag:s25] =	ssyncadd.s32 $0xFFFFFE40  }
0x5c: {  	s26 =	smul.u32 $0x32000, s15;
	_ =	strace $0x9000004A  }
0x5d: {  	_ =	strace $0x8000004B  }
0x5e: {  	p1 =	seq.s32 s0, $0x1;
	s26 =	sshrl.u32 s26, $0x2;
	s25 =	rddreg [dreg:$0x3]  }
0x5f: {  	s18 =	sor.u32 $0x380, s26;
	s25 =	simm.s32 @!p1 $0x0  }
0x60: {  	[tilespmem:s18], [sflag:$0x1] =	stream.indirect.gather [hbm4b:s4+s9], $0x80, s25, s9, $0x2000b8;
	[tilespmem:$0x19380] =	vst v63  }
0x61: {  	s31 =	sadd.s32 $0x1C80, s26;
	s28 =	sor.u32 $0x38, s25  }
0x62: {  	[tilespmem:s31], [sflag:$0x1] =	stream.indirect.gather [hbm4b:s4+s9], $0x80, s28, s9, $0x2000b8;
	[tilespmem:$0x19380] =	vst v63  }
0x63: {  	s31 =	sadd.s32 $0x3580, s26;
	s28 =	sadd.s32 $0x70, s25  }
0x64: {  	[tilespmem:s31], [sflag:$0x1] =	stream.indirect.gather [hbm4b:s4+s9], $0x80, s28, s9, $0x2000b8;
	[tilespmem:$0x19380] =	vst v63  }
0x65: {  	s31 =	sadd.s32 $0x4E80, s26;
	s28 =	sadd.s32 $0xA8, s25  }
0x66: {  	[tilespmem:s31], [sflag:$0x1] =	stream.indirect.gather [hbm4b:s4+s9], $0x80, s28, s9, $0x2000b8;
	[tilespmem:$0x19380] =	vst v63  }
0x67: {  	s31 =	sadd.s32 $0x6780, s26;
	s28 =	sadd.s32 $0xE0, s25  }
0x68: {  	[tilespmem:s31], [sflag:$0x1] =	stream.indirect.gather [hbm4b:s4+s9], $0x80, s28, s9, $0x2000b8;
	[tilespmem:$0x19380] =	vst v63  }
0x69: {  	s31 =	sadd.s32 $0x8080, s26;
	s28 =	sadd.s32 $0x118, s25  }
0x6a: {  	[tilespmem:s31], [sflag:$0x1] =	stream.indirect.gather [hbm4b:s4+s9], $0x80, s28, s9, $0x2000b8;
	[tilespmem:$0x19380] =	vst v63  }
0x6b: {  	s31 =	sadd.s32 $0x9980, s26;
	s28 =	sadd.s32 $0x150, s25  }
0x6c: {  	[tilespmem:s31], [sflag:$0x1] =	stream.indirect.gather [hbm4b:s4+s9], $0x80, s28, s9, $0x2000b8;
	[tilespmem:$0x19380] =	vst v63  }
0x6d: {  	s26 =	sadd.s32 $0xB280, s26;
	s25 =	sadd.s32 $0x188, s25  }
0x6e: {  	[tilespmem:s26], [sflag:$0x1] =	stream.indirect.gather [hbm4b:s4+s9], $0x80, s25, s9, $0x2000b8;
	[tilespmem:$0x19380] =	vst v63  }
0x6f: {  	_ =	swait.ge [sflag:s8], $0x1900  }
0x70: {  	[sflag:s8] =	ssyncset.done $0x0  }
0x71: {  	[sflag:s8] =	ssyncadd.s32 $0xFFFFE700  }
0x72: {  	_ =	swait.ge [sflag:s8], $0x1900  }
0x73: {  	[sflag:s8] =	ssyncset.done $0x0  }
0x74: {  	[sflag:s8] =	ssyncadd.s32 $0xFFFFE700  }
0x75: {  	_ =	swait.ge [sflag:s8], $0x1900  }
0x76: {  	[sflag:s8] =	ssyncset.done $0x0  }
0x77: {  	[sflag:s8] =	ssyncadd.s32 $0xFFFFE700  }
0x78: {  	_ =	swait.ge [sflag:s8], $0x1900  }
0x79: {  	[sflag:s8] =	ssyncset.done $0x0  }
0x7a: {  	[sflag:s8] =	ssyncadd.s32 $0xFFFFE700  }
0x7b: {  	_ =	swait.ge [sflag:s8], $0x1900  }
0x7c: {  	[sflag:s8] =	ssyncset.done $0x0  }
0x7d: {  	[sflag:s8] =	ssyncadd.s32 $0xFFFFE700  }
0x7e: {  	_ =	swait.ge [sflag:s8], $0x1900  }
0x7f: {  	[sflag:s8] =	ssyncset.done $0x0  }
0x80: {  	[sflag:s8] =	ssyncadd.s32 $0xFFFFE700  }
0x81: {  	_ =	swait.ge [sflag:s8], $0x1900  }
0x82: {  	s22 =	smov.u32 s13;
	[sflag:s8] =	ssyncset.done $0x0  }
0x83: {  	s13 =	smov.u32 s17;
	s17 =	sadd.s32 $0xFFFFFFFF, s17;
	[sflag:s8] =	ssyncadd.s32 $0xFFFFE700  }
0x84: {  	p3 =	sne.s32 s17, $0x0;
	p4 =	sne.s32 s22, $0x10;
	_ =	swait.ge [sflag:s8], $0x1900  }
0x85: {  	s12 =	smov.u32 s20;
	s20 =	sadd.s32 $0x1, s20;
	[sflag:s8] =	ssyncset.done $0x0  }
0x86: {  	s24 =	sand.u32 @!p2 $0x1, s14;
	p6 =	seq.s32 s20, $0x10;
	[sflag:s8] =	ssyncadd.s32 $0xFFFFE700  }
0x87: {  	s20 =	simm.s32 @p6 $0x0;
	s0 =	sadd.s32 s5, s23;
	_ =	strace $0x9000004B  }
0x88: {  	p5 =	seq.s32 s22, $0x1;
	s22 =	simm.s32 $0x1;
	s31 =	sld [smem:$0x7FD]  }
0x89: {  	p0 =	por p2, p2;
	p2 =	seq.s32 s13, $0x10;
	s22 =	simm.s32 @!p4 $0x0  }
0x8a: {  	s29 =	simm.s32 $0x1;
	p4 =	sne.s32 s12, s20;
	s14 =	sadd.s32 s22, s14  }
.Ltmp0:
0x8b: {  	p1 =	sne.s32 s13, $0x1;
	p6 =	seq.s32 s31, $0x1;
	(pc) =	sbr.rel @p3 .LBB2_2-.Ltmp0, $4  }
0x8c: {  	p1 =	por !p1, !p4;
	s25 =	sor.u32 @!p0 $0x4, s24;
	p6 =	por p5, p6  }
0x8d: {  	p5 =	por !p1, !p1;
	_ =	strace @p6 $0x8000004C;
	s24 =	simm.s32 @p6 $0x0  }
0x8e: {  	s23 =	sadd.s32 @p5 s5, s20;
	s29 =	simm.s32 @!p5 $0x0;
	s22 =	smul.u32 @p6 $0xC800, s0  }
0x8f: {  	s26 =	sand.u32 @p5 $0x1, s16;
	s28 =	smul.u32 @p5 $0x1C0, s23;
	s30 =	rddreg [dreg:$0x4]  }
0x90: {  	s0 =	sshrl.u32 @p6 s22, $0x3  }
0x91: {  	s15 =	sor.u32 @p6 $0x4, s15;
	s0 =	sadd.s32 @p6 s30, s0  }
0x92: {  	[hbm4b:s0+s24] =	stream.linear.scatter @p6 [tilespmem:s18], [sflag:s15], $0xC800, $0x200038;
	[tilespmem:$0x19380] =	vst v63  }
0x93: {  	_ =	strace @p6 $0x9000004C  }
0x94: {  	_ =	strace @!p0 $0x8000004D  }
0x95: {  	s16 =	simm.s32 $0x1;
	_ =	swait.ge @!p0 [sflag:s25], $0xC800  }
0x96: {  	s20 =	simm.s32 @p5 $0x0;
	s16 =	simm.s32 @!p6 $0x0;
	[sflag:s25] =	ssyncset.done @!p0 $0x0  }
0x97: {  	s0 =	smul.u32 @p5 $0x700, s26;
	s15 =	sshrl.u32 @p5 s28, $0x3;
	[sflag:s25] =	ssyncadd.s32 @!p0 $0xFFFF3800  }
0x98: {  	s17 =	sadd.s32 s16, s21;
	s18 =	sor.u32 @p5 $0x2, s26;
	_ =	strace @!p0 $0x9000004D  }
0x99: {  	s15 =	sadd.s32 @p5 s1, s15;
	s0 =	sshrl.u32 @p5 s0, $0x2;
	_ =	strace @p5 $0x80000049  }
0x9a: {  	[tilespmem:s0], [sflag:s18] =	stream.linear.gather @p5 [hbm4b:s15+s20], $0x1C0, $0x200038;
	[tilespmem:$0x19380] =	vst v63  }
0x9b: {  	s30 =	sand.u32 $0x1, s17;
	_ =	strace @p5 $0x90000049  }
0x9c: {  	s31 =	sor.u32 $0x2, s30;
	_ =	strace $0x8000004A  }
0x9d: {  	_ =	swait.ge [sflag:s31], $0x1C0  }
0x9e: {  	s17 =	sadd.s32 s16, s19;
	[sflag:s31] =	ssyncset.done $0x0  }
0x9f: {  	s15 =	sand.u32 $0x1, s17;
	[sflag:s31] =	ssyncadd.s32 $0xFFFFFE40  }
0xa0: {  	s18 =	smul.u32 $0x32000, s15;
	_ =	strace $0x9000004A  }
0xa1: {  	_ =	strace $0x8000004B  }
0xa2: {  	p0 =	seq.s32 s30, $0x1;
	s16 =	sshrl.u32 s18, $0x2;
	s17 =	rddreg [dreg:$0x3]  }
0xa3: {  	s0 =	sor.u32 $0x380, s16;
	s17 =	simm.s32 @!p0 $0x0  }
0xa4: {  	[tilespmem:s0], [sflag:$0x1] =	stream.indirect.gather [hbm4b:s4+s9], $0x80, s17, s9, $0x2000b8;
	[tilespmem:$0x19380] =	vst v63  }
0xa5: {  	s19 =	sadd.s32 $0x1C80, s16;
	s20 =	sor.u32 $0x38, s17  }
0xa6: {  	[tilespmem:s19], [sflag:$0x1] =	stream.indirect.gather [hbm4b:s4+s9], $0x80, s20, s9, $0x2000b8;
	[tilespmem:$0x19380] =	vst v63  }
0xa7: {  	s21 =	sadd.s32 $0x3580, s16;
	s22 =	sadd.s32 $0x70, s17  }
0xa8: {  	[tilespmem:s21], [sflag:$0x1] =	stream.indirect.gather [hbm4b:s4+s9], $0x80, s22, s9, $0x2000b8;
	[tilespmem:$0x19380] =	vst v63  }
0xa9: {  	s23 =	sadd.s32 $0x4E80, s16;
	s24 =	sadd.s32 $0xA8, s17  }
0xaa: {  	[tilespmem:s23], [sflag:$0x1] =	stream.indirect.gather [hbm4b:s4+s9], $0x80, s24, s9, $0x2000b8;
	[tilespmem:$0x19380] =	vst v63  }
0xab: {  	s25 =	sadd.s32 $0x6780, s16;
	s26 =	sadd.s32 $0xE0, s17  }
0xac: {  	[tilespmem:s25], [sflag:$0x1] =	stream.indirect.gather [hbm4b:s4+s9], $0x80, s26, s9, $0x2000b8;
	[tilespmem:$0x19380] =	vst v63  }
0xad: {  	s28 =	sadd.s32 $0x8080, s16;
	s29 =	sadd.s32 $0x118, s17  }
0xae: {  	[tilespmem:s28], [sflag:$0x1] =	stream.indirect.gather [hbm4b:s4+s9], $0x80, s29, s9, $0x2000b8;
	[tilespmem:$0x19380] =	vst v63  }
0xaf: {  	s30 =	sadd.s32 $0x9980, s16;
	s31 =	sadd.s32 $0x150, s17  }
0xb0: {  	[tilespmem:s30], [sflag:$0x1] =	stream.indirect.gather [hbm4b:s4+s9], $0x80, s31, s9, $0x2000b8;
	[tilespmem:$0x19380] =	vst v63  }
0xb1: {  	s16 =	sadd.s32 $0xB280, s16;
	s17 =	sadd.s32 $0x188, s17  }
0xb2: {  	[tilespmem:s16], [sflag:$0x1] =	stream.indirect.gather [hbm4b:s4+s9], $0x80, s17, s9, $0x2000b8;
	[tilespmem:$0x19380] =	vst v63  }
0xb3: {  	_ =	swait.ge [sflag:s8], $0x1900  }
0xb4: {  	[sflag:s8] =	ssyncset.done $0x0  }
0xb5: {  	[sflag:s8] =	ssyncadd.s32 $0xFFFFE700  }
0xb6: {  	_ =	swait.ge [sflag:s8], $0x1900  }
0xb7: {  	[sflag:s8] =	ssyncset.done $0x0  }
0xb8: {  	[sflag:s8] =	ssyncadd.s32 $0xFFFFE700  }
0xb9: {  	_ =	swait.ge [sflag:s8], $0x1900  }
0xba: {  	[sflag:s8] =	ssyncset.done $0x0  }
0xbb: {  	[sflag:s8] =	ssyncadd.s32 $0xFFFFE700  }
0xbc: {  	_ =	swait.ge [sflag:s8], $0x1900  }
0xbd: {  	[sflag:s8] =	ssyncset.done $0x0  }
0xbe: {  	[sflag:s8] =	ssyncadd.s32 $0xFFFFE700  }
0xbf: {  	_ =	swait.ge [sflag:s8], $0x1900  }
0xc0: {  	[sflag:s8] =	ssyncset.done $0x0  }
0xc1: {  	[sflag:s8] =	ssyncadd.s32 $0xFFFFE700  }
0xc2: {  	_ =	swait.ge [sflag:s8], $0x1900  }
0xc3: {  	[sflag:s8] =	ssyncset.done $0x0  }
0xc4: {  	[sflag:s8] =	ssyncadd.s32 $0xFFFFE700  }
0xc5: {  	_ =	swait.ge [sflag:s8], $0x1900  }
0xc6: {  	[sflag:s8] =	ssyncset.done $0x0  }
0xc7: {  	[sflag:s8] =	ssyncadd.s32 $0xFFFFE700  }
0xc8: {  	_ =	swait.ge [sflag:s8], $0x1900  }
0xc9: {  	p1 =	seq.s32 s13, $0x1;
	p6 =	por p4, p4;
	[sflag:s8] =	ssyncset.done $0x0  }
0xca: {  	s12 =	sadd.s32 s5, s12;
	p0 =	por p1, p6;
	[sflag:s8] =	ssyncadd.s32 $0xFFFFE700  }
0xcb: {  	s12 =	smul.u32 @p0 $0xC800, s12;
	_ =	strace $0x9000004B  }
0xcc: {  	_ =	strace @p0 $0x8000004C  }
0xcd: {  	s12 =	sshrl.u32 @p0 s12, $0x3;
	s13 =	rddreg [dreg:$0x4]  }
0xce: {  	s15 =	sor.u32 @p0 $0x4, s15;
	s16 =	simm.s32 @p0 $0x0;
	s12 =	sadd.s32 @p0 s13, s12  }
0xcf: {  	[hbm4b:s12+s16] =	stream.linear.scatter @p0 [tilespmem:s0], [sflag:s15], $0xC800, $0x200038;
	[tilespmem:$0x19380] =	vst v63  }
0xd0: {  	p1 =	por p2, p2;
	s0 =	sand.u32 @!p2 $0x1, s14;
	_ =	strace @p0 $0x9000004C  }
0xd1: {  	s0 =	sor.u32 @!p1 $0x4, s0;
	_ =	strace @!p1 $0x8000004D  }
0xd2: {  	_ =	swait.ge @!p1 [sflag:s0], $0xC800  }
0xd3: {  	[sflag:s0] =	ssyncset.done @!p1 $0x0  }
0xd4: {  	s11 =	sadd.s32 $0x1, s11;
	[sflag:s0] =	ssyncadd.s32 @!p1 $0xFFFF3800  }
0xd5: {  	p0 =	sne.s32 s11, s7;
	_ =	strace @!p1 $0x9000004D  }
.Ltmp1:
0xd6: {  	_ =	strace $0x8000004E;
	(pc) =	sbr.rel @p0 .LBB2_1-.Ltmp1, $4  }
0xd7: {  	_ =	swait.ge [sflag:s10], $0xC800  }
0xd8: {  	[sflag:s10] =	ssyncset.done $0x0  }
0xd9: {  	[sflag:s10] =	ssyncadd.s32 $0xFFFF3800  }
0xda: {  	_ =	strace $0x9000004E  }
0xdb: {  	_ =	sfence.sel $0x180000  }
0xdc: {  	[bflag:$0x0] =	sbarrier.arrive $0xFFFF  }
0xdd: {  	_ =	strace $0x90000047  }
0xde: {  	[bflag:$0x2] =	sbarrier.arrive $0xFFFF  }
0xdf: {  	p0 =	sne.s32 s2, $0x0;
	s0 =	rddreg [dreg:$0x2]  }
0xe0: {  	s0 =	sadd.s32 @!p0 $0x100000, s0  }
0xe1: {  	[sflag:s0] =	ssyncadd.tile.s32 @!p0 $0x1;
	_ =	shalt  }
.Lfunc_end2:
_tile_overlayer_lowered:
.L_overlay_start_2:
0xe2: {  	(tag) =	ssettag $0x2  }
0xe3: {  	s0 =	rddreg [dreg:$0x0];
	s2 =	stileid.u32  }
0xe4: {  	s1 =	rddreg [dreg:$0x1];
	p0 =	sne.s32 s2, $0x0  }
0xe5: {  	s3 =	rddreg [dreg:$0x2];
	[bflag:$0x3] =	sbarrier.arrive $0xFFFF;
	s2 =	simm.s32 @!p0 $0x1C02  }
0xe6: {  	[timem:s3], [sflag:s2] =	dma.local @!p0 [hbm:s0], s1  }
0xe7: {  	s0 =	simm.s32 @!p0 $0x2  }
0xe8: {  	_ =	swait.ge @!p0 [sflag:s0], s1  }
0xe9: {  	s1 =	ssub.s32 @!p0 $0x0, s1;
	[sflag:s0] =	ssyncset.done @!p0 $0x0  }
0xea: {  	[sflag:s0] =	ssyncadd.s32 @!p0 s1  }
0xeb: {  	[bflag:$0x3] =	sbarrier.arrive $0xFFFF  }
0xec: {  	_ =	shalt  }

// kernel: sparse-core-data-format-call.cloned.1.call-start
scs
called_computation_lowered:
.L_overlay_start_0:
0x0: {  	s2 =	sld [smem:$0x3FD9]  }
0x1: {  	s3 =	sld [smem:$0x3FFE];
	_ =	sdelay $0x1  }
0x2: {  	s1 =	srdreg.scid  }
0x3: {  	s0 =	sand.u32 $0x1, s1  }
0x4: {  	s15 =	sshll.u32 s0, $0xA;
	s2 =	sadd.s32 s3, s2  }
0x5: {  	s2 =	sadd.s32 s2, s15  }
0x6: {  	[smem:$0x3FC6] =	sst s2  }
0x7: {  	_ = 	snop  }
0x8: {  	s2 =	sld [smem:$0x3FD0];
	_ =	sdelay $0x2  }
0x9: {  	s16 =	simm.s32 $0xA;
	s4 =	simm.s32 $0x10  }
0xa: {  	[smem:s4], [sflag:s16] =	dma.local [hbm:s2], $0x1  }
0xb: {  	_ =	swait.eq [sflag:s16], $0x1  }
0xc: {  	[sflag:s16] =	ssyncset.done $0x0  }
0xd: {  	[sflag:s16] =	ssyncadd.s32 $0xFFFFFFFF  }
0xe: {  	s17 =	sld [smem:$0x10];
	(tm) =	ssettm $0x1  }
0xf: {  	s18 =	sld [smem:$0x3FFB];
	_ =	sdelay $0x3  }
0x10: {  	_ =	strace s18  }
0x11: {  	s3 =	sld [smem:$0x3FFC];
	_ =	sdelay $0x3  }
0x12: {  	_ =	strace s3  }
0x13: {  	s3 =	sld [smem:$0x3FFD];
	_ =	sdelay $0x3  }
0x14: {  	_ =	strace s3  }
0x15: {  	_ =	strace $0x8FFFFFFF  }
0x16: {  	s19 =	sld [smem:$0x3FDB];
	_ =	sdelay $0x1  }
0x17: {  	s20 =	simm.s32 $_scs_section_size  }
0x18: {  	s5 =	simm.s32 $_size__tile_overlayer_lowered;
	s6 =	simm.s32 $_tile_overlayer_lowered  }
0x19: {  	s23 =	simm.s32 $0x1BFF;
	s22 =	sshll.u32 s6, $0x1;
	s3 =	sadd.s32 s20, s19  }
0x1a: {  	s7 =	simm.s32 $0x0;
	s21 =	sshll.u32 s5, $0x1;
	s5 =	sadd.s32 s22, s3  }
0x1b: {  	[timem:s7], [sflag:s23] =	dma.local [hbm:s5], s21  }
0x1c: {  	_ =	swait.ge [sflag:s23], s21  }
0x1d: {  	s4 =	ssub.s32 $0x0, s21;
	[sflag:s23] =	ssyncset.done $0x0  }
0x1e: {  	[sflag:s23] =	ssyncadd.s32 s4;
	_ =	sdelay $0x1  }
0x1f: {  	s24 =	simm.s32 $0x1B8B  }
0x20: {  	_ =	swait.ge [sflag:s24], $0x1  }
0x21: {  	[sflag:s24] =	ssyncset.done $0x0  }
0x22: {  	s26 =	simm.s32 $0x1B8E;
	s25 =	sld [smem:$0x3FFE];
	[sflag:s24] =	ssyncadd.s32 $0xFFFFFFFF  }
0x23: {  	s27 =	simm.s32 $execute0_lowered;
	[smem:$0x3FD2] =	sst s26  }
0x24: {  	s5 =	sshll.u32 s27, $0x1;
	_ =	strace $0x80000050;
	[dreg:$0x1] =	wrdreg $0xFFFFFFFF  }
0x25: {  	s28 =	simm.s32 $_size_execute0_lowered;
	s3 =	sadd.s32 s3, s5;
	[dreg:$0x0] =	wrdreg $0x0  }
0x26: {  	s5 =	sshll.u32 s28, $0x1;
	[dreg:$0x2] =	wrdreg s3  }
0x27: {  	[dreg:$0x3] =	wrdreg s5  }
0x28: {  	[dreg:$0x4] =	wrdreg $0xC0  }
0x29: {  	_ =	task [dreg:s7], $0x5FFFF  }
0x2a: {  	[dreg:$0x1] =	wrdreg $0xFFFFFFFF  }
0x2b: {  	[dreg:$0x0] =	wrdreg $0x60  }
0x2c: {  	[dreg:$0x2] =	wrdreg s25  }
0x2d: {  	[dreg:$0x3] =	wrdreg s17  }
0x2e: {  	[dreg:$0x4] =	wrdreg $0x9  }
0x2f: {  	_ =	task.clear_ibuf [dreg:s7], $0x5FFFF;
	_ =	strace $0x90000050  }
0x30: {  	s29 =	simm.s32 $0x9;
	_ =	strace $0x80000052  }
0x31: {  	_ =	swait.ge [sflag:s29], $0x1  }
0x32: {  	[sflag:s29] =	ssyncadd.s32 $0xFFFFFFFF  }
0x33: {  	_ =	strace $0x90000052  }
0x34: {  	_ =	sfence  }
0x35: {  	s30 =	sld [smem:$0x0];
	_ =	sdelay $0x2  }
0x36: {  	s31 =	sshll.u32 s1, $0xD;
	s1 =	sshrl.u32 s1, $0x2  }
0x37: {  	s3 =	sand.u32 $0x4000, s31;
	s1 =	sadd.s32 s1, s30  }
0x38: {  	s0 =	sor.u32 s3, s0;
	s1 =	sshll.u32 s1, $0x11  }
0x39: {  	s0 =	sor.u32 s1, s0  }
0x3a: {  	s0 =	sadd.s32 $0x8F2B, s0  }
0x3b: {  	[sflag:s0] =	ssyncadd.remote.s32 $0x1  }
0x3c: {  	_ =	sfence.sel $0xFFFF  }
0x3d: {  	[dreg:$0x0] =	wrdreg $0xFFFFFFFF;
	(pc) =	sbr.abs _section_cstart, $3  }
0x3e: {  	[dreg:$0x1] =	wrdreg $0xFFFFFFFF  }
0x3f: {  	_ =	task.clear_ibuf [dreg:s7], $0x2FFFF;
	_ =	strace $0x9FFFFFFF  }
0x40: {  	(tm) =	ssettm $0x7FFFFFFF  }
0x41: {  	_ =	shalt  }
tec
execute0_lowered:
.L_overlay_start_1:
0x0: {  	(tag) =	ssettag $0x1  }
0x1: {  	s0 =	srdreg.scid  }
0x2: {  	s1 =	sshll.u32 s0, $0x4  }
0x3: {  	s0 =	stileid.u32;
	s1 =	sand.u32 $0x10, s1  }
0x4: {  	s1 =	sor.u32 s0, s1  }
0x5: {  	s6 =	rddreg [dreg:$0x0];
	s4 =	simm.s32 $0x1;
	s2 =	sshll.u32 s1, $0x7  }
0x6: {  	s7 =	simm.s32 $0x2;
	s12 =	simm.s32 $0x0;
	s1 =	ssub.s32 $0x1000, s2  }
0x7: {  	s8 =	simm.s32 $0x8000;
	s13 =	simm.s32 $0x0;
	s3 =	sand.u32 $0xF80, s1  }
0x8: {  	s9 =	simm.s32 $0x0;
	s5 =	sshrl.u32 s1, $0xC;
	p0 =	sne.s32 s3, $0x0  }
.Ltmp0:
0x9: {  	s1 =	rddreg [dreg:$0x2];
	s4 =	simm.s32 @!p0 $0x0;
	(pc) =	sbr.rel .LBB1_1-.Ltmp0, $4  }
0xa: {  	s11 =	simm.s32 $0x0;
	s3 =	rddreg [dreg:$0x1];
	s5 =	sadd.s32 s4, s5  }
0xb: {  	_ =	strace $0x80000051;
	s4 =	simm.s32 $0x1;
	s5 =	smul.u32 $0x32, s5  }
0xc: {  	s6 =	sadd.s32 $0x320A00, s6;
	s10 =	smov.u32 s2;
	[sflag:s4] =	ssyncpa.u1 $0x0  }
0xd: {  	p0 =	por $0x0, $0x0;
	[sflag:s7] =	ssyncpa.u1 $0x0;
	s7 =	sor.u32 $0x1, s5  }
.LBB1_4:
0xe: {  	s16 =	sshll.u32 s13, $0x3;
	s17 =	sand.u32 $0x78, s13  }
0xf: {  	s30 =	sand.u32 $0x7E00, s13;
	s12 =	sshll.u32 s12, $0xF;
	s16 =	sand.u32 $0xC00, s16  }
0x10: {  	[tilespmem:s15+$0x810 ss:$0x81] =	vst.msk $0xffff, v2;
	s31 =	sand.u32 $0x7, s13;
	s16 =	sor.u32 s17, s16;
	s17 =	sadd.s32 s3, s30  }
0x11: {  	[tilespmem:s15+$0x1020 ss:$0x81] =	vst.msk $0xffff, v0;
	s13 =	sshll.u32 s31, $0x12;
	s12 =	sadd.s32 s12, s17;
	s16 =	sshrl.u32 s16, $0x3  }
0x12: {  	[tilespmem:s15+$0x0 ss:$0x81] =	vst.msk $0xffff, v1;
	s13 =	sor.u32 $0x400, s13;
	s12 =	sadd.s32 s16, s12  }
0x13: {  	[hbm4b:s12+s13] =	stream.strided.scatter [tilespmem:s14], [sflag:$0x2], $0x2000, s8, s13, $0x20;
	[tilespmem:$0x8080] =	vst v63  }
.LBB1_5:
0x14: {  	s14 =	sadd.s32 $0x1, s9  }
0x15: {  	s12 =	sadd.s32 $0x1000, s10;
	s16 =	smov.u32 s10;
	p2 =	sgt.s32 s14, $0x31  }
0x16: {  	s16 =	smov.u32 @p2 s12  }
0x17: {  	s14 =	simm.s32 @p2 $0x0;
	p2 =	sgt.s32 s16, $0xFFF  }
0x18: {  	s16 =	smov.u32 @p2 s2;
	p2 =	sne.s32 s11, s7  }
.Ltmp1:
0x19: {  	p1 =	slt.u32 s11, $0x2;
	(pc) =	sbr.rel @!p2 .LBB1_6-.Ltmp1, $4  }
0x1a: {  	s15 =	simm.s32 @!p1 $0x2  }
0x1b: {  	s13 =	smov.u32 s10;
	p0 =	por !p0, !p0;
	_ =	swait.ge @!p1 [sflag:s15], $0x2000  }
0x1c: {  	s12 =	smov.u32 s9;
	[sflag:s15] =	ssyncset.done @!p1 $0x0;
	s9 =	smov.u32 s14  }
0x1d: {  	s11 =	sadd.s32 $0x1, s11;
	[sflag:s15] =	ssyncadd.s32 @!p1 $0xFFFFE000;
	s10 =	smov.u32 s16  }
.LBB1_1:
0x1e: {  	p1 =	sge.u32 s11, s5  }
0x1f: {  	s14 =	sand.u32 @!p1 $0x1FFFFFF, s9  }
0x20: {  	s15 =	smulhi.u32 @!p1 $0x4924925, s14;
	_ =	sdelay $0x1  }
0x21: {  	s15 =	smul.u32 @!p1 $0x38, s15  }
0x22: {  	s16 =	sxor.u32 @!p1 $0xFFFFFFFF, s11;
	s17 =	smul.u32 @!p1 $0x380, s10  }
0x23: {  	s31 =	sadd.s32 $0xFFFFFFFF, s11;
	s16 =	sshll.u32 @!p1 s16, $0xD;
	s14 =	ssub.s32 @!p1 s14, s15  }
0x24: {  	s15 =	sand.u32 @!p1 $0x2000, s16;
	s16 =	sadd.s32 @!p1 s6, s17;
	s14 =	sshll.u32 @!p1 s14, $0x4  }
0x25: {  	s17 =	simm.s32 @!p1 $0x1C00;
	s14 =	sadd.s32 @!p1 s14, s16;
	s16 =	simm.s32 @!p1 $0x40  }
0x26: {  	[tilespmem:s15], [sflag:$0x1] =	stream.strided.gather @!p1 [hbm4b:s14+s16], $0x2000, s17, s16, $0x38;
	[tilespmem:$0x8080] =	vst v63  }
0x27: {  	p1 =	sge.u32 s31, s5  }
.Ltmp2:
0x28: {  	_ = 	snop;
	(pc) =	sbr.rel @p1 .LBB1_5-.Ltmp2, $1  }
0x29: {  	_ =	sdelay $0x3  }
0x2a: {  	s14 =	simm.s32 $0x1  }
0x2b: {  	_ =	swait.ge [sflag:s4], $0x2000;
	s14 =	simm.s32 @!p0 $0x0  }
0x2c: {  	[sflag:s4] =	ssyncset.done $0x0;
	s15 =	sshll.u32 s14, $0xD  }
0x2d: {  	[sflag:s4] =	ssyncadd.s32 $0xFFFFE000;
	s18 =	sor.u32 $0x20, s15  }
0x2e: {  	s14 =	smul.u32 $0x8100, s14;
	v3 =	vld [tilespmem:s18+$0x10]  }
0x2f: {  	s30 =	sand.u32 $0x1, s11;
	v2 =	vld [tilespmem:s18+$0xFFFFFFF0]  }
0x30: {  	s15 =	smul.u32 $0x8100, s30;
	s14 =	sshrl.u32 s14, $0x2;
	v0 =	vld [tilespmem:s18+$0x0]  }
0x31: {  	v1 =	vld [tilespmem:s18+$0xFFFFFFE0];
	s16 =	sor.u32 $0x4000, s14  }
0x32: {  	s31 =	sshrl.u32 s15, $0x2;
	s15 =	sadd.s32 $0x0, s16  }
0x33: {  	s17 =	simm.s32 $0x4;
	s18 =	sadd.s32 $0x40, s18;
	s14 =	sor.u32 $0x4000, s31;
	[tilespmem:s15+$0x1830 ss:$0x81] =	vst.msk $0xffff, v3  }
.LBB1_3:
0x34: {  	v3 =	vld [tilespmem:s18+$0x10];
	p1 =	sne.s32 s17, $0x1FC;
	[tilespmem:s15+$0x810 ss:$0x81] =	vst.msk $0xffff, v2;
	s19 =	smov.u32 s17;
	s17 =	sadd.s32 $0x4, s17  }
.Ltmp3:
0x35: {  	v2 =	vld [tilespmem:s18+$0xFFFFFFF0];
	[tilespmem:s15+$0x1020 ss:$0x81] =	vst.msk $0xffff, v0;
	(pc) =	sbr.rel @p1 .LBB1_3-.Ltmp3, $4  }
0x36: {  	v0 =	vld [tilespmem:s18+$0x0];
	[tilespmem:s15+$0x0 ss:$0x81] =	vst.msk $0xffff, v1  }
0x37: {  	s15 =	sshra.s32 s19, $0x2;
	v1 =	vld [tilespmem:s18+$0xFFFFFFE0]  }
0x38: {  	s15 =	sadd.s32 s15, s16  }
0x39: {  	s18 =	sadd.s32 $0x40, s18;
	[tilespmem:s15+$0x1830 ss:$0x81] =	vst.msk $0xffff, v3  }
.Ltmp4:
0x3a: {  	_ = 	snop;
	(pc) =	sbr.rel .LBB1_4-.Ltmp4, $1  }
0x3b: {  	_ =	sdelay $0x3  }
.LBB1_6:
0x3c: {  	_ =	sfence.sel $0x180000  }
0x3d: {  	s2 =	simm.s32 $0x1;
	[bflag:$0x0] =	sbarrier.arrive $0xFFFF  }
0x3e: {  	s31 =	simm.s32 $0x2;
	[sflag:s2] =	ssyncpa.u1 $0x1  }
0x3f: {  	[sflag:s31] =	ssyncpa.u1 $0x1  }
0x40: {  	p0 =	sne.s32 s0, $0x0;
	_ =	strace $0x90000051  }
0x41: {  	s0 =	sadd.s32 @!p0 $0x100000, s1;
	[bflag:$0x2] =	sbarrier.arrive $0xFFFF  }
0x42: {  	[sflag:s0] =	ssyncadd.tile.s32 @!p0 $0x1;
	_ =	shalt  }
.Lfunc_end1:
_tile_overlayer_lowered:
.L_overlay_start_2:
0x43: {  	(tag) =	ssettag $0x2  }
0x44: {  	s0 =	rddreg [dreg:$0x0];
	s2 =	stileid.u32  }
0x45: {  	s1 =	rddreg [dreg:$0x1];
	p0 =	sne.s32 s2, $0x0  }
0x46: {  	s3 =	rddreg [dreg:$0x2];
	[bflag:$0x3] =	sbarrier.arrive $0xFFFF;
	s2 =	simm.s32 @!p0 $0x1C01  }
0x47: {  	[timem:s3], [sflag:s2] =	dma.local @!p0 [hbm:s0], s1  }
0x48: {  	s0 =	simm.s32 @!p0 $0x1  }
0x49: {  	_ =	swait.ge @!p0 [sflag:s0], s1  }
0x4a: {  	s1 =	ssub.s32 @!p0 $0x0, s1;
	[sflag:s0] =	ssyncset.done @!p0 $0x0  }
0x4b: {  	[sflag:s0] =	ssyncadd.s32 @!p0 s1  }
0x4c: {  	[bflag:$0x3] =	sbarrier.arrive $0xFFFF  }
0x4d: {  	_ =	shalt  }

</sc_bundles>
